<compile_context>
chip_gen: v7x
topology: tpu7x:2x2x1
jax: 0.10.2.dev20260603
libtpu: 0.0.44.dev20260713+nightly
codegen_flags: <defaults>
</compile_context>

<pallas_src>
import functools

import jax
import jax.numpy as jnp
from jax import lax
from jax.experimental import pallas as pl
from jax.experimental.pallas import tpu as pltpu
from jax.experimental.pallas import tpu_sc as plsc

_NUM_FEATURES = 26
_VOCAB = 128
_BATCH = 16384
_MAX_NORM = 1.0

_ROWS = _BATCH * _NUM_FEATURES
_TABLE_ROWS = _NUM_FEATURES * _VOCAB
_WIDTH = _NUM_FEATURES * _VOCAB

_NC, _NS, _L = 2, 16, 16
_NW = _NC * _NS
_PER_W = _ROWS // _NW
_BATCH_PER_W = _BATCH // _NW
_CHUNK = 104
_BROWS = _CHUNK // _NUM_FEATURES
_NBUF = 8
_CHUNKS_PER_W = _PER_W // _CHUNK
_OUTER = _CHUNKS_PER_W // _NBUF


def _scale_body(*refs):
    o_ref = refs[-1]
    for i in range(_NUM_FEATURES):
        rows = refs[i][...]
        norm = jnp.sqrt(jnp.sum(rows * rows, axis=1, keepdims=True))
        scale = jnp.minimum(1.0, _MAX_NORM / jnp.maximum(norm, 1e-7))
        o_ref[pl.ds(i * _VOCAB, _VOCAB), :] = rows * scale


_scale_call = pl.pallas_call(
    _scale_body,
    out_shape=jax.ShapeDtypeStruct((_TABLE_ROWS, _VOCAB), jnp.float32),
)


def _sc_gather_body(x_hbm, table_hbm, out_hbm, idxv, *bs):
    bufs = bs[:_NBUF]
    sems = bs[_NBUF:2 * _NBUF]
    osems = bs[2 * _NBUF:3 * _NBUF]
    wid = lax.axis_index("s") * _NC + lax.axis_index("c")
    base = wid * _PER_W
    brow = wid * _BATCH_PER_W

    pltpu.sync_copy(x_hbm.at[pl.ds(base, _PER_W)], idxv)

    lanes = lax.iota(jnp.int32, _L)

    def idx_body(j, carry):
        r = j * _L
        off = lax.rem(base + r + lanes, _NUM_FEATURES) * _VOCAB
        idxv[pl.ds(r, _L)] = idxv[pl.ds(r, _L)] + off
        return carry

    _FIRST = _NBUF * _CHUNK // _L
    lax.fori_loop(0, _FIRST, idx_body, 0, unroll=4)

    def _fire_gather(c, b):
        return pltpu.async_copy(
            table_hbm.at[idxv.at[pl.ds(c * _CHUNK, _CHUNK)]],
            bufs[b],
            sems[b],
        )

    def _fire_out(c, b):
        return pltpu.async_copy(
            bufs[b].reshape(_BROWS, _WIDTH),
            out_hbm.at[pl.ds(brow + c * _BROWS, _BROWS)],
            osems[b])

    def _drain_out(b):
        pltpu.make_async_copy(
            bufs[b].reshape(_BROWS, _WIDTH),
            out_hbm.at[pl.ds(brow, _BROWS)], osems[b]).wait()

    pre = [_fire_gather(b, b) for b in range(_NBUF)]

    lax.fori_loop(_FIRST, _PER_W // _L, idx_body, 0, unroll=4)

    for b in range(_NBUF):
        pre[b].wait()
        _fire_out(b, b)

    def chunk_body(p, carry):
        copies = []
        for b in range(_NBUF):
            _drain_out(b)
            copies.append(_fire_gather(p * _NBUF + b, b))
        for b in range(_NBUF):
            copies[b].wait()
            _fire_out(p * _NBUF + b, b)
        return carry

    lax.fori_loop(1, _OUTER, chunk_body, 0)
    for b in range(_NBUF):
        _drain_out(b)


@functools.cache
def _make_sc_gather():
    mesh = plsc.VectorSubcoreMesh(core_axis_name="c", subcore_axis_name="s")
    return pl.kernel(
        _sc_gather_body,
        mesh=mesh,
        out_type=jax.ShapeDtypeStruct((_BATCH, _WIDTH), jnp.float32),
        scratch_types=[
            pltpu.VMEM((_PER_W,), jnp.int32),
        ] + [pltpu.VMEM((_CHUNK, _VOCAB), jnp.float32)] * _NBUF
          + [pltpu.SemaphoreType.DMA] * (2 * _NBUF),
    )


def kernel(x, W0, W1, W2, W3, W4, W5, W6, W7, W8, W9, W10, W11, W12, W13,
           W14, W15, W16, W17, W18, W19, W20, W21, W22, W23, W24, W25):
    Ws = [W0, W1, W2, W3, W4, W5, W6, W7, W8, W9, W10, W11, W12, W13,
          W14, W15, W16, W17, W18, W19, W20, W21, W22, W23, W24, W25]
    scaled = _scale_call(*Ws)
    x_flat = x.astype(jnp.int32).reshape(-1)
    return _make_sc_gather()(x_flat, scaled)

# --- scband reference (transcript-rebuilt; emitter-appended) ---
"""Pipeline reference for scband-feature-embedding-10943576670982 (READ-ONLY COPY).

The authoritative reference and input builder live on the scoring server;
editing this copy changes nothing except your own understanding.
"""

import jax, jax.numpy as jnp
import numpy as np

FEATURE_LENS = [128] * 26
MAX_NORM = 1.0
BATCH = 16384


def setup_inputs(seed: int = 0) -> dict:
    key = jax.random.key(seed)
    x = jax.random.randint(key, (BATCH, len(FEATURE_LENS)), 0, min(FEATURE_LENS), dtype=jnp.int64)
    inp = {"x": x}
    for i, size in enumerate(FEATURE_LENS):
        # nn.Embedding(size, size) with weight loaded as identity
        inp[f"W{i}"] = jnp.eye(size, dtype=jnp.float32)
    return inp


def reference(x, W0, W1, W2, W3, W4, W5, W6, W7, W8, W9, W10, W11, W12, W13,
              W14, W15, W16, W17, W18, W19, W20, W21, W22, W23, W24, W25):
    # Faithful translation of FeatureEmbedding.forward:
    # per-field embedding lookup with max_norm renormalization, then concat on dim 1.
    Ws = [W0, W1, W2, W3, W4, W5, W6, W7, W8, W9, W10, W11, W12, W13,
          W14, W15, W16, W17, W18, W19, W20, W21, W22, W23, W24, W25]
    outs = []
    for i in range(len(FEATURE_LENS)):
        W = Ws[i]
        idx = x[:, i].astype(jnp.int32)
        rows = jnp.take(W, idx, axis=0)
        # torch max_norm: rows with norm > max_norm are rescaled to max_norm (done under no_grad)
        norms = jnp.linalg.norm(rows, axis=-1, keepdims=True)
        scale = jnp.minimum(1.0, MAX_NORM / jnp.maximum(norms, 1e-7))
        scale = jax.lax.stop_gradient(scale)
        outs.append(rows * scale)
    return jnp.concatenate(outs, axis=1)

if __name__ == "__main__":
    import jax
    _d = setup_inputs()
    print(jax.jit(kernel)(*tuple(_d.values())))

</pallas_src>

<mosaic_0001>
#map = affine_map<(d0, d1) -> (0)>
#map1 = affine_map<(d0, d1) -> (0, 0)>
module attributes {stable_mosaic.version = 14 : i64} {
  func.func @_sc_gather_body(%arg0: i32, %arg1: i32, %arg2: memref<425984xi32, #tpu.memory_space<hbm>>, %arg3: memref<3328x128xf32, #tpu.memory_space<hbm>>, %arg4: memref<16384x3328xf32, #tpu.memory_space<hbm>>, %arg5: memref<13312xi32, #tpu.memory_space<vmem>>, %arg6: memref<104x128xf32, #tpu.memory_space<vmem>>, %arg7: memref<104x128xf32, #tpu.memory_space<vmem>>, %arg8: memref<104x128xf32, #tpu.memory_space<vmem>>, %arg9: memref<104x128xf32, #tpu.memory_space<vmem>>, %arg10: memref<104x128xf32, #tpu.memory_space<vmem>>, %arg11: memref<104x128xf32, #tpu.memory_space<vmem>>, %arg12: memref<104x128xf32, #tpu.memory_space<vmem>>, %arg13: memref<104x128xf32, #tpu.memory_space<vmem>>, %arg14: memref<!tpu.dma_semaphore, #tpu.memory_space<semaphore_mem>>, %arg15: memref<!tpu.dma_semaphore, #tpu.memory_space<semaphore_mem>>, %arg16: memref<!tpu.dma_semaphore, #tpu.memory_space<semaphore_mem>>, %arg17: memref<!tpu.dma_semaphore, #tpu.memory_space<semaphore_mem>>, %arg18: memref<!tpu.dma_semaphore, #tpu.memory_space<semaphore_mem>>, %arg19: memref<!tpu.dma_semaphore, #tpu.memory_space<semaphore_mem>>, %arg20: memref<!tpu.dma_semaphore, #tpu.memory_space<semaphore_mem>>, %arg21: memref<!tpu.dma_semaphore, #tpu.memory_space<semaphore_mem>>, %arg22: memref<!tpu.dma_semaphore, #tpu.memory_space<semaphore_mem>>, %arg23: memref<!tpu.dma_semaphore, #tpu.memory_space<semaphore_mem>>, %arg24: memref<!tpu.dma_semaphore, #tpu.memory_space<semaphore_mem>>, %arg25: memref<!tpu.dma_semaphore, #tpu.memory_space<semaphore_mem>>, %arg26: memref<!tpu.dma_semaphore, #tpu.memory_space<semaphore_mem>>, %arg27: memref<!tpu.dma_semaphore, #tpu.memory_space<semaphore_mem>>, %arg28: memref<!tpu.dma_semaphore, #tpu.memory_space<semaphore_mem>>, %arg29: memref<!tpu.dma_semaphore, #tpu.memory_space<semaphore_mem>>) attributes {dimension_semantics = [#tpu.dimension_semantics<core_parallel>, #tpu.dimension_semantics<subcore_parallel>], iteration_bounds = array<i64: 2, 16>, scalar_prefetch = 0 : i64, scratch_operands = 25 : i64, tpu.core_type = #tpu.core_type<sc_vector_subcore>, window_params = [{transform_indices = #map}, {transform_indices = #map1}, {transform_indices = #map1}]} {
    %mul3A = arith.constant 2 : i32
    %mul3A_0 = arith.muli %arg1, %mul3A : i32
    %add3A = arith.addi %mul3A_0, %arg0 : i32
    %mul3A_1 = arith.constant 13312 : i32
    %mul3A_2 = arith.muli %add3A, %mul3A_1 : i32
    %mul3A_3 = arith.constant 512 : i32
    %mul3A_4 = arith.muli %add3A, %mul3A_3 : i32
    "tpu.region"() ({
      %run_scoped3A = tpu.sem_alloc : memref<!tpu.dma_semaphore, #tpu.memory_space<semaphore_mem>>
      %dma_start3A_212 = tpu.memref_slice %arg2[%mul3A_2] : memref<425984xi32, #tpu.memory_space<hbm>> -> memref<13312xi32, #tpu.memory_space<hbm>>
      %dma_start3A_213 = tpu.memref_slice %arg2[%mul3A_2] : memref<425984xi32, #tpu.memory_space<hbm>> -> memref<13312xi32, #tpu.memory_space<hbm>>
      tpu.enqueue_dma source(%dma_start3A_213 : memref<13312xi32, #tpu.memory_space<hbm>>) target(%arg5 : memref<13312xi32, #tpu.memory_space<vmem>>) target_semaphore(%run_scoped3A : memref<!tpu.dma_semaphore, #tpu.memory_space<semaphore_mem>>)
      %dma_wait3A_214 = tpu.memref_slice %arg2[%mul3A_2] : memref<425984xi32, #tpu.memory_space<hbm>> -> memref<13312xi32, #tpu.memory_space<hbm>>
      %dma_wait3A_215 = tpu.memref_slice %arg2[%mul3A_2] : memref<425984xi32, #tpu.memory_space<hbm>> -> memref<13312xi32, #tpu.memory_space<hbm>>
      tpu.wait_dma2 semaphore(%run_scoped3A : memref<!tpu.dma_semaphore, #tpu.memory_space<semaphore_mem>>) src(%dma_wait3A_215 : memref<13312xi32, #tpu.memory_space<hbm>>) dst(%arg5 : memref<13312xi32, #tpu.memory_space<vmem>>)
      tpu.yield
    }) : () -> ()
    %iota3A = tpu.iota {dimensions = array<i32: 0>} : vector<16xi32>
    %scan3A = arith.constant 0 : i32
    %scan3A_5 = arith.constant 0 : i32
    %scan3A_6 = arith.constant 52 : i32
    %scan3A_7 = arith.addi %scan3A_5, %scan3A_6 : i32
    %scan3A_8 = arith.constant 4 : i32
    scf.for %scan3A_212 = %scan3A_5 to %scan3A_7 step %scan3A_8  : i32 {
      %mul3A_213 = arith.constant 16 : i32
      %mul3A_214 = arith.muli %scan3A_212, %mul3A_213 : i32
      %add3A_215 = arith.addi %mul3A_2, %mul3A_214 : i32
      %add3A_216 = vector.broadcast %add3A_215 : i32 to vector<16xi32>
      %add3A_217 = arith.addi %add3A_216, %iota3A : vector<16xi32>
      %rem3A = arith.constant 26 : i32
      %rem3A_218 = vector.broadcast %rem3A : i32 to vector<16xi32>
      %rem3A_219 = arith.remsi %add3A_217, %rem3A_218 : vector<16xi32>
      %mul3A_220 = arith.constant 128 : i32
      %mul3A_221 = vector.broadcast %mul3A_220 : i32 to vector<16xi32>
      %mul3A_222 = arith.muli %rem3A_219, %mul3A_221 : vector<16xi32>
      %get3A = arith.index_cast %mul3A_214 : i32 to index
      %get3A_223 = tpu.vector_load %arg5[%get3A] {strides = array<i32>} : memref<13312xi32, #tpu.memory_space<vmem>>, vector<16xi32>,
      %get3A_224 = vector.shape_cast %get3A_223 : vector<16xi32> to vector<16xi32>
      %add3A_225 = arith.addi %get3A_224, %mul3A_222 : vector<16xi32>
      %swap3A = arith.index_cast %mul3A_214 : i32 to index
      %swap3A_226 = tpu.vector_load %arg5[%swap3A] {strides = array<i32>} : memref<13312xi32, #tpu.memory_space<vmem>>, vector<16xi32>,
      %swap3A_227 = vector.shape_cast %swap3A_226 : vector<16xi32> to vector<16xi32>
      %swap3A_228 = vector.shape_cast %add3A_225 : vector<16xi32> to vector<16xi32>
      tpu.vector_store %arg5[%swap3A], %swap3A_228 {strides = array<i32>} : memref<13312xi32, #tpu.memory_space<vmem>>, vector<16xi32>,
      %scan3A_229 = arith.constant 1 : i32
      %scan3A_230 = arith.addi %scan3A_212, %scan3A_229 : i32
      %mul3A_231 = arith.constant 16 : i32
      %mul3A_232 = arith.muli %scan3A_230, %mul3A_231 : i32
      %add3A_233 = arith.addi %mul3A_2, %mul3A_232 : i32
      %add3A_234 = vector.broadcast %add3A_233 : i32 to vector<16xi32>
      %add3A_235 = arith.addi %add3A_234, %iota3A : vector<16xi32>
      %rem3A_236 = arith.constant 26 : i32
      %rem3A_237 = vector.broadcast %rem3A_236 : i32 to vector<16xi32>
      %rem3A_238 = arith.remsi %add3A_235, %rem3A_237 : vector<16xi32>
      %mul3A_239 = arith.constant 128 : i32
      %mul3A_240 = vector.broadcast %mul3A_239 : i32 to vector<16xi32>
      %mul3A_241 = arith.muli %rem3A_238, %mul3A_240 : vector<16xi32>
      %get3A_242 = arith.index_cast %mul3A_232 : i32 to index
      %get3A_243 = tpu.vector_load %arg5[%get3A_242] {strides = array<i32>} : memref<13312xi32, #tpu.memory_space<vmem>>, vector<16xi32>,
      %get3A_244 = vector.shape_cast %get3A_243 : vector<16xi32> to vector<16xi32>
      %add3A_245 = arith.addi %get3A_244, %mul3A_241 : vector<16xi32>
      %swap3A_246 = arith.index_cast %mul3A_232 : i32 to index
      %swap3A_247 = tpu.vector_load %arg5[%swap3A_246] {strides = array<i32>} : memref<13312xi32, #tpu.memory_space<vmem>>, vector<16xi32>,
      %swap3A_248 = vector.shape_cast %swap3A_247 : vector<16xi32> to vector<16xi32>
      %swap3A_249 = vector.shape_cast %add3A_245 : vector<16xi32> to vector<16xi32>
      tpu.vector_store %arg5[%swap3A_246], %swap3A_249 {strides = array<i32>} : memref<13312xi32, #tpu.memory_space<vmem>>, vector<16xi32>,
      %scan3A_250 = arith.constant 2 : i32
      %scan3A_251 = arith.addi %scan3A_212, %scan3A_250 : i32
      %mul3A_252 = arith.constant 16 : i32
      %mul3A_253 = arith.muli %scan3A_251, %mul3A_252 : i32
      %add3A_254 = arith.addi %mul3A_2, %mul3A_253 : i32
      %add3A_255 = vector.broadcast %add3A_254 : i32 to vector<16xi32>
      %add3A_256 = arith.addi %add3A_255, %iota3A : vector<16xi32>
      %rem3A_257 = arith.constant 26 : i32
      %rem3A_258 = vector.broadcast %rem3A_257 : i32 to vector<16xi32>
      %rem3A_259 = arith.remsi %add3A_256, %rem3A_258 : vector<16xi32>
      %mul3A_260 = arith.constant 128 : i32
      %mul3A_261 = vector.broadcast %mul3A_260 : i32 to vector<16xi32>
      %mul3A_262 = arith.muli %rem3A_259, %mul3A_261 : vector<16xi32>
      %get3A_263 = arith.index_cast %mul3A_253 : i32 to index
      %get3A_264 = tpu.vector_load %arg5[%get3A_263] {strides = array<i32>} : memref<13312xi32, #tpu.memory_space<vmem>>, vector<16xi32>,
      %get3A_265 = vector.shape_cast %get3A_264 : vector<16xi32> to vector<16xi32>
      %add3A_266 = arith.addi %get3A_265, %mul3A_262 : vector<16xi32>
      %swap3A_267 = arith.index_cast %mul3A_253 : i32 to index
      %swap3A_268 = tpu.vector_load %arg5[%swap3A_267] {strides = array<i32>} : memref<13312xi32, #tpu.memory_space<vmem>>, vector<16xi32>,
      %swap3A_269 = vector.shape_cast %swap3A_268 : vector<16xi32> to vector<16xi32>
      %swap3A_270 = vector.shape_cast %add3A_266 : vector<16xi32> to vector<16xi32>
      tpu.vector_store %arg5[%swap3A_267], %swap3A_270 {strides = array<i32>} : memref<13312xi32, #tpu.memory_space<vmem>>, vector<16xi32>,
      %scan3A_271 = arith.constant 3 : i32
      %scan3A_272 = arith.addi %scan3A_212, %scan3A_271 : i32
      %mul3A_273 = arith.constant 16 : i32
      %mul3A_274 = arith.muli %scan3A_272, %mul3A_273 : i32
      %add3A_275 = arith.addi %mul3A_2, %mul3A_274 : i32
      %add3A_276 = vector.broadcast %add3A_275 : i32 to vector<16xi32>
      %add3A_277 = arith.addi %add3A_276, %iota3A : vector<16xi32>
      %rem3A_278 = arith.constant 26 : i32
      %rem3A_279 = vector.broadcast %rem3A_278 : i32 to vector<16xi32>
      %rem3A_280 = arith.remsi %add3A_277, %rem3A_279 : vector<16xi32>
      %mul3A_281 = arith.constant 128 : i32
      %mul3A_282 = vector.broadcast %mul3A_281 : i32 to vector<16xi32>
      %mul3A_283 = arith.muli %rem3A_280, %mul3A_282 : vector<16xi32>
      %get3A_284 = arith.index_cast %mul3A_274 : i32 to index
      %get3A_285 = tpu.vector_load %arg5[%get3A_284] {strides = array<i32>} : memref<13312xi32, #tpu.memory_space<vmem>>, vector<16xi32>,
      %get3A_286 = vector.shape_cast %get3A_285 : vector<16xi32> to vector<16xi32>
      %add3A_287 = arith.addi %get3A_286, %mul3A_283 : vector<16xi32>
      %swap3A_288 = arith.index_cast %mul3A_274 : i32 to index
      %swap3A_289 = tpu.vector_load %arg5[%swap3A_288] {strides = array<i32>} : memref<13312xi32, #tpu.memory_space<vmem>>, vector<16xi32>,
      %swap3A_290 = vector.shape_cast %swap3A_289 : vector<16xi32> to vector<16xi32>
      %swap3A_291 = vector.shape_cast %add3A_287 : vector<16xi32> to vector<16xi32>
      tpu.vector_store %arg5[%swap3A_288], %swap3A_291 {strides = array<i32>} : memref<13312xi32, #tpu.memory_space<vmem>>, vector<16xi32>,
    }
    %scan3A_9 = arith.constant 52 : i32
    %dma_start3A = arith.constant 0 : i32
    %dma_start3A_10 = tpu.memref_slice %arg5[%dma_start3A] : memref<13312xi32, #tpu.memory_space<vmem>> -> memref<104xi32, #tpu.memory_space<vmem>>
    %dma_start3A_11 = arith.constant 0 : i32
    %dma_start3A_12 = arith.constant 0 : i32
    %dma_start3A_13 = tpu.memref_slice %arg3[%dma_start3A_11, %dma_start3A_12] : memref<3328x128xf32, #tpu.memory_space<hbm>> -> memref<3328x128xf32, #tpu.memory_space<hbm>>
    tpu.enqueue_indirect_dma source(%dma_start3A_13 : memref<3328x128xf32, #tpu.memory_space<hbm>>) target(%arg6 : memref<104x128xf32, #tpu.memory_space<vmem>>) offsets(%dma_start3A_10 : memref<104xi32, #tpu.memory_space<vmem>>) semaphore(%arg14 : memref<!tpu.dma_semaphore, #tpu.memory_space<semaphore_mem>>)
    %dma_start3A_14 = arith.constant 104 : i32
    %dma_start3A_15 = tpu.memref_slice %arg5[%dma_start3A_14] : memref<13312xi32, #tpu.memory_space<vmem>> -> memref<104xi32, #tpu.memory_space<vmem>>
    %dma_start3A_16 = arith.constant 0 : i32
    %dma_start3A_17 = arith.constant 0 : i32
    %dma_start3A_18 = tpu.memref_slice %arg3[%dma_start3A_16, %dma_start3A_17] : memref<3328x128xf32, #tpu.memory_space<hbm>> -> memref<3328x128xf32, #tpu.memory_space<hbm>>
    tpu.enqueue_indirect_dma source(%dma_start3A_18 : memref<3328x128xf32, #tpu.memory_space<hbm>>) target(%arg7 : memref<104x128xf32, #tpu.memory_space<vmem>>) offsets(%dma_start3A_15 : memref<104xi32, #tpu.memory_space<vmem>>) semaphore(%arg15 : memref<!tpu.dma_semaphore, #tpu.memory_space<semaphore_mem>>)
    %dma_start3A_19 = arith.constant 208 : i32
    %dma_start3A_20 = tpu.memref_slice %arg5[%dma_start3A_19] : memref<13312xi32, #tpu.memory_space<vmem>> -> memref<104xi32, #tpu.memory_space<vmem>>
    %dma_start3A_21 = arith.constant 0 : i32
    %dma_start3A_22 = arith.constant 0 : i32
    %dma_start3A_23 = tpu.memref_slice %arg3[%dma_start3A_21, %dma_start3A_22] : memref<3328x128xf32, #tpu.memory_space<hbm>> -> memref<3328x128xf32, #tpu.memory_space<hbm>>
    tpu.enqueue_indirect_dma source(%dma_start3A_23 : memref<3328x128xf32, #tpu.memory_space<hbm>>) target(%arg8 : memref<104x128xf32, #tpu.memory_space<vmem>>) offsets(%dma_start3A_20 : memref<104xi32, #tpu.memory_space<vmem>>) semaphore(%arg16 : memref<!tpu.dma_semaphore, #tpu.memory_space<semaphore_mem>>)
    %dma_start3A_24 = arith.constant 312 : i32
    %dma_start3A_25 = tpu.memref_slice %arg5[%dma_start3A_24] : memref<13312xi32, #tpu.memory_space<vmem>> -> memref<104xi32, #tpu.memory_space<vmem>>
    %dma_start3A_26 = arith.constant 0 : i32
    %dma_start3A_27 = arith.constant 0 : i32
    %dma_start3A_28 = tpu.memref_slice %arg3[%dma_start3A_26, %dma_start3A_27] : memref<3328x128xf32, #tpu.memory_space<hbm>> -> memref<3328x128xf32, #tpu.memory_space<hbm>>
    tpu.enqueue_indirect_dma source(%dma_start3A_28 : memref<3328x128xf32, #tpu.memory_space<hbm>>) target(%arg9 : memref<104x128xf32, #tpu.memory_space<vmem>>) offsets(%dma_start3A_25 : memref<104xi32, #tpu.memory_space<vmem>>) semaphore(%arg17 : memref<!tpu.dma_semaphore, #tpu.memory_space<semaphore_mem>>)
    %dma_start3A_29 = arith.constant 416 : i32
    %dma_start3A_30 = tpu.memref_slice %arg5[%dma_start3A_29] : memref<13312xi32, #tpu.memory_space<vmem>> -> memref<104xi32, #tpu.memory_space<vmem>>
    %dma_start3A_31 = arith.constant 0 : i32
    %dma_start3A_32 = arith.constant 0 : i32
    %dma_start3A_33 = tpu.memref_slice %arg3[%dma_start3A_31, %dma_start3A_32] : memref<3328x128xf32, #tpu.memory_space<hbm>> -> memref<3328x128xf32, #tpu.memory_space<hbm>>
    tpu.enqueue_indirect_dma source(%dma_start3A_33 : memref<3328x128xf32, #tpu.memory_space<hbm>>) target(%arg10 : memref<104x128xf32, #tpu.memory_space<vmem>>) offsets(%dma_start3A_30 : memref<104xi32, #tpu.memory_space<vmem>>) semaphore(%arg18 : memref<!tpu.dma_semaphore, #tpu.memory_space<semaphore_mem>>)
    %dma_start3A_34 = arith.constant 520 : i32
    %dma_start3A_35 = tpu.memref_slice %arg5[%dma_start3A_34] : memref<13312xi32, #tpu.memory_space<vmem>> -> memref<104xi32, #tpu.memory_space<vmem>>
    %dma_start3A_36 = arith.constant 0 : i32
    %dma_start3A_37 = arith.constant 0 : i32
    %dma_start3A_38 = tpu.memref_slice %arg3[%dma_start3A_36, %dma_start3A_37] : memref<3328x128xf32, #tpu.memory_space<hbm>> -> memref<3328x128xf32, #tpu.memory_space<hbm>>
    tpu.enqueue_indirect_dma source(%dma_start3A_38 : memref<3328x128xf32, #tpu.memory_space<hbm>>) target(%arg11 : memref<104x128xf32, #tpu.memory_space<vmem>>) offsets(%dma_start3A_35 : memref<104xi32, #tpu.memory_space<vmem>>) semaphore(%arg19 : memref<!tpu.dma_semaphore, #tpu.memory_space<semaphore_mem>>)
    %dma_start3A_39 = arith.constant 624 : i32
    %dma_start3A_40 = tpu.memref_slice %arg5[%dma_start3A_39] : memref<13312xi32, #tpu.memory_space<vmem>> -> memref<104xi32, #tpu.memory_space<vmem>>
    %dma_start3A_41 = arith.constant 0 : i32
    %dma_start3A_42 = arith.constant 0 : i32
    %dma_start3A_43 = tpu.memref_slice %arg3[%dma_start3A_41, %dma_start3A_42] : memref<3328x128xf32, #tpu.memory_space<hbm>> -> memref<3328x128xf32, #tpu.memory_space<hbm>>
    tpu.enqueue_indirect_dma source(%dma_start3A_43 : memref<3328x128xf32, #tpu.memory_space<hbm>>) target(%arg12 : memref<104x128xf32, #tpu.memory_space<vmem>>) offsets(%dma_start3A_40 : memref<104xi32, #tpu.memory_space<vmem>>) semaphore(%arg20 : memref<!tpu.dma_semaphore, #tpu.memory_space<semaphore_mem>>)
    %dma_start3A_44 = arith.constant 728 : i32
    %dma_start3A_45 = tpu.memref_slice %arg5[%dma_start3A_44] : memref<13312xi32, #tpu.memory_space<vmem>> -> memref<104xi32, #tpu.memory_space<vmem>>
    %dma_start3A_46 = arith.constant 0 : i32
    %dma_start3A_47 = arith.constant 0 : i32
    %dma_start3A_48 = tpu.memref_slice %arg3[%dma_start3A_46, %dma_start3A_47] : memref<3328x128xf32, #tpu.memory_space<hbm>> -> memref<3328x128xf32, #tpu.memory_space<hbm>>
    tpu.enqueue_indirect_dma source(%dma_start3A_48 : memref<3328x128xf32, #tpu.memory_space<hbm>>) target(%arg13 : memref<104x128xf32, #tpu.memory_space<vmem>>) offsets(%dma_start3A_45 : memref<104xi32, #tpu.memory_space<vmem>>) semaphore(%arg21 : memref<!tpu.dma_semaphore, #tpu.memory_space<semaphore_mem>>)
    %scan3A_49 = arith.constant 0 : i32
    %scan3A_50 = arith.constant 52 : i32
    %scan3A_51 = arith.constant 780 : i32
    %scan3A_52 = arith.addi %scan3A_50, %scan3A_51 : i32
    %scan3A_53 = arith.constant 4 : i32
    scf.for %scan3A_212 = %scan3A_50 to %scan3A_52 step %scan3A_53  : i32 {
      %mul3A_213 = arith.constant 16 : i32
      %mul3A_214 = arith.muli %scan3A_212, %mul3A_213 : i32
      %add3A_215 = arith.addi %mul3A_2, %mul3A_214 : i32
      %add3A_216 = vector.broadcast %add3A_215 : i32 to vector<16xi32>
      %add3A_217 = arith.addi %add3A_216, %iota3A : vector<16xi32>
      %rem3A = arith.constant 26 : i32
      %rem3A_218 = vector.broadcast %rem3A : i32 to vector<16xi32>
      %rem3A_219 = arith.remsi %add3A_217, %rem3A_218 : vector<16xi32>
      %mul3A_220 = arith.constant 128 : i32
      %mul3A_221 = vector.broadcast %mul3A_220 : i32 to vector<16xi32>
      %mul3A_222 = arith.muli %rem3A_219, %mul3A_221 : vector<16xi32>
      %get3A = arith.index_cast %mul3A_214 : i32 to index
      %get3A_223 = tpu.vector_load %arg5[%get3A] {strides = array<i32>} : memref<13312xi32, #tpu.memory_space<vmem>>, vector<16xi32>,
      %get3A_224 = vector.shape_cast %get3A_223 : vector<16xi32> to vector<16xi32>
      %add3A_225 = arith.addi %get3A_224, %mul3A_222 : vector<16xi32>
      %swap3A = arith.index_cast %mul3A_214 : i32 to index
      %swap3A_226 = tpu.vector_load %arg5[%swap3A] {strides = array<i32>} : memref<13312xi32, #tpu.memory_space<vmem>>, vector<16xi32>,
      %swap3A_227 = vector.shape_cast %swap3A_226 : vector<16xi32> to vector<16xi32>
      %swap3A_228 = vector.shape_cast %add3A_225 : vector<16xi32> to vector<16xi32>
      tpu.vector_store %arg5[%swap3A], %swap3A_228 {strides = array<i32>} : memref<13312xi32, #tpu.memory_space<vmem>>, vector<16xi32>,
      %scan3A_229 = arith.constant 1 : i32
      %scan3A_230 = arith.addi %scan3A_212, %scan3A_229 : i32
      %mul3A_231 = arith.constant 16 : i32
      %mul3A_232 = arith.muli %scan3A_230, %mul3A_231 : i32
      %add3A_233 = arith.addi %mul3A_2, %mul3A_232 : i32
      %add3A_234 = vector.broadcast %add3A_233 : i32 to vector<16xi32>
      %add3A_235 = arith.addi %add3A_234, %iota3A : vector<16xi32>
      %rem3A_236 = arith.constant 26 : i32
      %rem3A_237 = vector.broadcast %rem3A_236 : i32 to vector<16xi32>
      %rem3A_238 = arith.remsi %add3A_235, %rem3A_237 : vector<16xi32>
      %mul3A_239 = arith.constant 128 : i32
      %mul3A_240 = vector.broadcast %mul3A_239 : i32 to vector<16xi32>
      %mul3A_241 = arith.muli %rem3A_238, %mul3A_240 : vector<16xi32>
      %get3A_242 = arith.index_cast %mul3A_232 : i32 to index
      %get3A_243 = tpu.vector_load %arg5[%get3A_242] {strides = array<i32>} : memref<13312xi32, #tpu.memory_space<vmem>>, vector<16xi32>,
      %get3A_244 = vector.shape_cast %get3A_243 : vector<16xi32> to vector<16xi32>
      %add3A_245 = arith.addi %get3A_244, %mul3A_241 : vector<16xi32>
      %swap3A_246 = arith.index_cast %mul3A_232 : i32 to index
      %swap3A_247 = tpu.vector_load %arg5[%swap3A_246] {strides = array<i32>} : memref<13312xi32, #tpu.memory_space<vmem>>, vector<16xi32>,
      %swap3A_248 = vector.shape_cast %swap3A_247 : vector<16xi32> to vector<16xi32>
      %swap3A_249 = vector.shape_cast %add3A_245 : vector<16xi32> to vector<16xi32>
      tpu.vector_store %arg5[%swap3A_246], %swap3A_249 {strides = array<i32>} : memref<13312xi32, #tpu.memory_space<vmem>>, vector<16xi32>,
      %scan3A_250 = arith.constant 2 : i32
      %scan3A_251 = arith.addi %scan3A_212, %scan3A_250 : i32
      %mul3A_252 = arith.constant 16 : i32
      %mul3A_253 = arith.muli %scan3A_251, %mul3A_252 : i32
      %add3A_254 = arith.addi %mul3A_2, %mul3A_253 : i32
      %add3A_255 = vector.broadcast %add3A_254 : i32 to vector<16xi32>
      %add3A_256 = arith.addi %add3A_255, %iota3A : vector<16xi32>
      %rem3A_257 = arith.constant 26 : i32
      %rem3A_258 = vector.broadcast %rem3A_257 : i32 to vector<16xi32>
      %rem3A_259 = arith.remsi %add3A_256, %rem3A_258 : vector<16xi32>
      %mul3A_260 = arith.constant 128 : i32
      %mul3A_261 = vector.broadcast %mul3A_260 : i32 to vector<16xi32>
      %mul3A_262 = arith.muli %rem3A_259, %mul3A_261 : vector<16xi32>
      %get3A_263 = arith.index_cast %mul3A_253 : i32 to index
      %get3A_264 = tpu.vector_load %arg5[%get3A_263] {strides = array<i32>} : memref<13312xi32, #tpu.memory_space<vmem>>, vector<16xi32>,
      %get3A_265 = vector.shape_cast %get3A_264 : vector<16xi32> to vector<16xi32>
      %add3A_266 = arith.addi %get3A_265, %mul3A_262 : vector<16xi32>
      %swap3A_267 = arith.index_cast %mul3A_253 : i32 to index
      %swap3A_268 = tpu.vector_load %arg5[%swap3A_267] {strides = array<i32>} : memref<13312xi32, #tpu.memory_space<vmem>>, vector<16xi32>,
      %swap3A_269 = vector.shape_cast %swap3A_268 : vector<16xi32> to vector<16xi32>
      %swap3A_270 = vector.shape_cast %add3A_266 : vector<16xi32> to vector<16xi32>
      tpu.vector_store %arg5[%swap3A_267], %swap3A_270 {strides = array<i32>} : memref<13312xi32, #tpu.memory_space<vmem>>, vector<16xi32>,
      %scan3A_271 = arith.constant 3 : i32
      %scan3A_272 = arith.addi %scan3A_212, %scan3A_271 : i32
      %mul3A_273 = arith.constant 16 : i32
      %mul3A_274 = arith.muli %scan3A_272, %mul3A_273 : i32
      %add3A_275 = arith.addi %mul3A_2, %mul3A_274 : i32
      %add3A_276 = vector.broadcast %add3A_275 : i32 to vector<16xi32>
      %add3A_277 = arith.addi %add3A_276, %iota3A : vector<16xi32>
      %rem3A_278 = arith.constant 26 : i32
      %rem3A_279 = vector.broadcast %rem3A_278 : i32 to vector<16xi32>
      %rem3A_280 = arith.remsi %add3A_277, %rem3A_279 : vector<16xi32>
      %mul3A_281 = arith.constant 128 : i32
      %mul3A_282 = vector.broadcast %mul3A_281 : i32 to vector<16xi32>
      %mul3A_283 = arith.muli %rem3A_280, %mul3A_282 : vector<16xi32>
      %get3A_284 = arith.index_cast %mul3A_274 : i32 to index
      %get3A_285 = tpu.vector_load %arg5[%get3A_284] {strides = array<i32>} : memref<13312xi32, #tpu.memory_space<vmem>>, vector<16xi32>,
      %get3A_286 = vector.shape_cast %get3A_285 : vector<16xi32> to vector<16xi32>
      %add3A_287 = arith.addi %get3A_286, %mul3A_283 : vector<16xi32>
      %swap3A_288 = arith.index_cast %mul3A_274 : i32 to index
      %swap3A_289 = tpu.vector_load %arg5[%swap3A_288] {strides = array<i32>} : memref<13312xi32, #tpu.memory_space<vmem>>, vector<16xi32>,
      %swap3A_290 = vector.shape_cast %swap3A_289 : vector<16xi32> to vector<16xi32>
      %swap3A_291 = vector.shape_cast %add3A_287 : vector<16xi32> to vector<16xi32>
      tpu.vector_store %arg5[%swap3A_288], %swap3A_291 {strides = array<i32>} : memref<13312xi32, #tpu.memory_space<vmem>>, vector<16xi32>,
    }
    %scan3A_54 = arith.constant 780 : i32
    %dma_wait3A = arith.constant 0 : i32
    %dma_wait3A_55 = tpu.memref_slice %arg5[%dma_wait3A] : memref<13312xi32, #tpu.memory_space<vmem>> -> memref<104xi32, #tpu.memory_space<vmem>>
    %dma_wait3A_56 = arith.constant 0 : i32
    %dma_wait3A_57 = arith.constant 0 : i32
    %dma_wait3A_58 = tpu.memref_slice %arg3[%dma_wait3A_56, %dma_wait3A_57] : memref<3328x128xf32, #tpu.memory_space<hbm>> -> memref<3328x128xf32, #tpu.memory_space<hbm>>
    tpu.wait_indirect_dma semaphore(%arg14 : memref<!tpu.dma_semaphore, #tpu.memory_space<semaphore_mem>>) src(%dma_wait3A_58 : memref<3328x128xf32, #tpu.memory_space<hbm>>) dst(%arg6 : memref<104x128xf32, #tpu.memory_space<vmem>>)
    %add3A_59 = arith.constant 0 : i32
    %add3A_60 = arith.addi %mul3A_4, %add3A_59 : i32
    %dma_start3A_61 = tpu.memref_reshape %arg6 : memref<104x128xf32, #tpu.memory_space<vmem>> -> memref<4x3328xf32, #tpu.memory_space<vmem>>
    %dma_start3A_62 = arith.constant 0 : i32
    %dma_start3A_63 = tpu.memref_slice %arg4[%add3A_60, %dma_start3A_62] : memref<16384x3328xf32, #tpu.memory_space<hbm>> -> memref<4x3328xf32, #tpu.memory_space<hbm>>
    %dma_start3A_64 = arith.constant 0 : i32
    %dma_start3A_65 = tpu.memref_slice %arg4[%add3A_60, %dma_start3A_64] : memref<16384x3328xf32, #tpu.memory_space<hbm>> -> memref<4x3328xf32, #tpu.memory_space<hbm>>
    %dma_start3A_66 = tpu.memref_reshape %arg6 : memref<104x128xf32, #tpu.memory_space<vmem>> -> memref<4x3328xf32, #tpu.memory_space<vmem>>
    tpu.enqueue_dma source(%dma_start3A_66 : memref<4x3328xf32, #tpu.memory_space<vmem>>) target(%dma_start3A_65 : memref<4x3328xf32, #tpu.memory_space<hbm>>) target_semaphore(%arg22 : memref<!tpu.dma_semaphore, #tpu.memory_space<semaphore_mem>>)
    %dma_wait3A_67 = arith.constant 104 : i32
    %dma_wait3A_68 = tpu.memref_slice %arg5[%dma_wait3A_67] : memref<13312xi32, #tpu.memory_space<vmem>> -> memref<104xi32, #tpu.memory_space<vmem>>
    %dma_wait3A_69 = arith.constant 0 : i32
    %dma_wait3A_70 = arith.constant 0 : i32
    %dma_wait3A_71 = tpu.memref_slice %arg3[%dma_wait3A_69, %dma_wait3A_70] : memref<3328x128xf32, #tpu.memory_space<hbm>> -> memref<3328x128xf32, #tpu.memory_space<hbm>>
    tpu.wait_indirect_dma semaphore(%arg15 : memref<!tpu.dma_semaphore, #tpu.memory_space<semaphore_mem>>) src(%dma_wait3A_71 : memref<3328x128xf32, #tpu.memory_space<hbm>>) dst(%arg7 : memref<104x128xf32, #tpu.memory_space<vmem>>)
    %add3A_72 = arith.constant 4 : i32
    %add3A_73 = arith.addi %mul3A_4, %add3A_72 : i32
    %dma_start3A_74 = tpu.memref_reshape %arg7 : memref<104x128xf32, #tpu.memory_space<vmem>> -> memref<4x3328xf32, #tpu.memory_space<vmem>>
    %dma_start3A_75 = arith.constant 0 : i32
    %dma_start3A_76 = tpu.memref_slice %arg4[%add3A_73, %dma_start3A_75] : memref<16384x3328xf32, #tpu.memory_space<hbm>> -> memref<4x3328xf32, #tpu.memory_space<hbm>>
    %dma_start3A_77 = arith.constant 0 : i32
    %dma_start3A_78 = tpu.memref_slice %arg4[%add3A_73, %dma_start3A_77] : memref<16384x3328xf32, #tpu.memory_space<hbm>> -> memref<4x3328xf32, #tpu.memory_space<hbm>>
    %dma_start3A_79 = tpu.memref_reshape %arg7 : memref<104x128xf32, #tpu.memory_space<vmem>> -> memref<4x3328xf32, #tpu.memory_space<vmem>>
    tpu.enqueue_dma source(%dma_start3A_79 : memref<4x3328xf32, #tpu.memory_space<vmem>>) target(%dma_start3A_78 : memref<4x3328xf32, #tpu.memory_space<hbm>>) target_semaphore(%arg23 : memref<!tpu.dma_semaphore, #tpu.memory_space<semaphore_mem>>)
    %dma_wait3A_80 = arith.constant 208 : i32
    %dma_wait3A_81 = tpu.memref_slice %arg5[%dma_wait3A_80] : memref<13312xi32, #tpu.memory_space<vmem>> -> memref<104xi32, #tpu.memory_space<vmem>>
    %dma_wait3A_82 = arith.constant 0 : i32
    %dma_wait3A_83 = arith.constant 0 : i32
    %dma_wait3A_84 = tpu.memref_slice %arg3[%dma_wait3A_82, %dma_wait3A_83] : memref<3328x128xf32, #tpu.memory_space<hbm>> -> memref<3328x128xf32, #tpu.memory_space<hbm>>
    tpu.wait_indirect_dma semaphore(%arg16 : memref<!tpu.dma_semaphore, #tpu.memory_space<semaphore_mem>>) src(%dma_wait3A_84 : memref<3328x128xf32, #tpu.memory_space<hbm>>) dst(%arg8 : memref<104x128xf32, #tpu.memory_space<vmem>>)
    %add3A_85 = arith.constant 8 : i32
    %add3A_86 = arith.addi %mul3A_4, %add3A_85 : i32
    %dma_start3A_87 = tpu.memref_reshape %arg8 : memref<104x128xf32, #tpu.memory_space<vmem>> -> memref<4x3328xf32, #tpu.memory_space<vmem>>
    %dma_start3A_88 = arith.constant 0 : i32
    %dma_start3A_89 = tpu.memref_slice %arg4[%add3A_86, %dma_start3A_88] : memref<16384x3328xf32, #tpu.memory_space<hbm>> -> memref<4x3328xf32, #tpu.memory_space<hbm>>
    %dma_start3A_90 = arith.constant 0 : i32
    %dma_start3A_91 = tpu.memref_slice %arg4[%add3A_86, %dma_start3A_90] : memref<16384x3328xf32, #tpu.memory_space<hbm>> -> memref<4x3328xf32, #tpu.memory_space<hbm>>
    %dma_start3A_92 = tpu.memref_reshape %arg8 : memref<104x128xf32, #tpu.memory_space<vmem>> -> memref<4x3328xf32, #tpu.memory_space<vmem>>
    tpu.enqueue_dma source(%dma_start3A_92 : memref<4x3328xf32, #tpu.memory_space<vmem>>) target(%dma_start3A_91 : memref<4x3328xf32, #tpu.memory_space<hbm>>) target_semaphore(%arg24 : memref<!tpu.dma_semaphore, #tpu.memory_space<semaphore_mem>>)
    %dma_wait3A_93 = arith.constant 312 : i32
    %dma_wait3A_94 = tpu.memref_slice %arg5[%dma_wait3A_93] : memref<13312xi32, #tpu.memory_space<vmem>> -> memref<104xi32, #tpu.memory_space<vmem>>
    %dma_wait3A_95 = arith.constant 0 : i32
    %dma_wait3A_96 = arith.constant 0 : i32
    %dma_wait3A_97 = tpu.memref_slice %arg3[%dma_wait3A_95, %dma_wait3A_96] : memref<3328x128xf32, #tpu.memory_space<hbm>> -> memref<3328x128xf32, #tpu.memory_space<hbm>>
    tpu.wait_indirect_dma semaphore(%arg17 : memref<!tpu.dma_semaphore, #tpu.memory_space<semaphore_mem>>) src(%dma_wait3A_97 : memref<3328x128xf32, #tpu.memory_space<hbm>>) dst(%arg9 : memref<104x128xf32, #tpu.memory_space<vmem>>)
    %add3A_98 = arith.constant 12 : i32
    %add3A_99 = arith.addi %mul3A_4, %add3A_98 : i32
    %dma_start3A_100 = tpu.memref_reshape %arg9 : memref<104x128xf32, #tpu.memory_space<vmem>> -> memref<4x3328xf32, #tpu.memory_space<vmem>>
    %dma_start3A_101 = arith.constant 0 : i32
    %dma_start3A_102 = tpu.memref_slice %arg4[%add3A_99, %dma_start3A_101] : memref<16384x3328xf32, #tpu.memory_space<hbm>> -> memref<4x3328xf32, #tpu.memory_space<hbm>>
    %dma_start3A_103 = arith.constant 0 : i32
    %dma_start3A_104 = tpu.memref_slice %arg4[%add3A_99, %dma_start3A_103] : memref<16384x3328xf32, #tpu.memory_space<hbm>> -> memref<4x3328xf32, #tpu.memory_space<hbm>>
    %dma_start3A_105 = tpu.memref_reshape %arg9 : memref<104x128xf32, #tpu.memory_space<vmem>> -> memref<4x3328xf32, #tpu.memory_space<vmem>>
    tpu.enqueue_dma source(%dma_start3A_105 : memref<4x3328xf32, #tpu.memory_space<vmem>>) target(%dma_start3A_104 : memref<4x3328xf32, #tpu.memory_space<hbm>>) target_semaphore(%arg25 : memref<!tpu.dma_semaphore, #tpu.memory_space<semaphore_mem>>)
    %dma_wait3A_106 = arith.constant 416 : i32
    %dma_wait3A_107 = tpu.memref_slice %arg5[%dma_wait3A_106] : memref<13312xi32, #tpu.memory_space<vmem>> -> memref<104xi32, #tpu.memory_space<vmem>>
    %dma_wait3A_108 = arith.constant 0 : i32
    %dma_wait3A_109 = arith.constant 0 : i32
    %dma_wait3A_110 = tpu.memref_slice %arg3[%dma_wait3A_108, %dma_wait3A_109] : memref<3328x128xf32, #tpu.memory_space<hbm>> -> memref<3328x128xf32, #tpu.memory_space<hbm>>
    tpu.wait_indirect_dma semaphore(%arg18 : memref<!tpu.dma_semaphore, #tpu.memory_space<semaphore_mem>>) src(%dma_wait3A_110 : memref<3328x128xf32, #tpu.memory_space<hbm>>) dst(%arg10 : memref<104x128xf32, #tpu.memory_space<vmem>>)
    %add3A_111 = arith.constant 16 : i32
    %add3A_112 = arith.addi %mul3A_4, %add3A_111 : i32
    %dma_start3A_113 = tpu.memref_reshape %arg10 : memref<104x128xf32, #tpu.memory_space<vmem>> -> memref<4x3328xf32, #tpu.memory_space<vmem>>
    %dma_start3A_114 = arith.constant 0 : i32
    %dma_start3A_115 = tpu.memref_slice %arg4[%add3A_112, %dma_start3A_114] : memref<16384x3328xf32, #tpu.memory_space<hbm>> -> memref<4x3328xf32, #tpu.memory_space<hbm>>
    %dma_start3A_116 = arith.constant 0 : i32
    %dma_start3A_117 = tpu.memref_slice %arg4[%add3A_112, %dma_start3A_116] : memref<16384x3328xf32, #tpu.memory_space<hbm>> -> memref<4x3328xf32, #tpu.memory_space<hbm>>
    %dma_start3A_118 = tpu.memref_reshape %arg10 : memref<104x128xf32, #tpu.memory_space<vmem>> -> memref<4x3328xf32, #tpu.memory_space<vmem>>
    tpu.enqueue_dma source(%dma_start3A_118 : memref<4x3328xf32, #tpu.memory_space<vmem>>) target(%dma_start3A_117 : memref<4x3328xf32, #tpu.memory_space<hbm>>) target_semaphore(%arg26 : memref<!tpu.dma_semaphore, #tpu.memory_space<semaphore_mem>>)
    %dma_wait3A_119 = arith.constant 520 : i32
    %dma_wait3A_120 = tpu.memref_slice %arg5[%dma_wait3A_119] : memref<13312xi32, #tpu.memory_space<vmem>> -> memref<104xi32, #tpu.memory_space<vmem>>
    %dma_wait3A_121 = arith.constant 0 : i32
    %dma_wait3A_122 = arith.constant 0 : i32
    %dma_wait3A_123 = tpu.memref_slice %arg3[%dma_wait3A_121, %dma_wait3A_122] : memref<3328x128xf32, #tpu.memory_space<hbm>> -> memref<3328x128xf32, #tpu.memory_space<hbm>>
    tpu.wait_indirect_dma semaphore(%arg19 : memref<!tpu.dma_semaphore, #tpu.memory_space<semaphore_mem>>) src(%dma_wait3A_123 : memref<3328x128xf32, #tpu.memory_space<hbm>>) dst(%arg11 : memref<104x128xf32, #tpu.memory_space<vmem>>)
    %add3A_124 = arith.constant 20 : i32
    %add3A_125 = arith.addi %mul3A_4, %add3A_124 : i32
    %dma_start3A_126 = tpu.memref_reshape %arg11 : memref<104x128xf32, #tpu.memory_space<vmem>> -> memref<4x3328xf32, #tpu.memory_space<vmem>>
    %dma_start3A_127 = arith.constant 0 : i32
    %dma_start3A_128 = tpu.memref_slice %arg4[%add3A_125, %dma_start3A_127] : memref<16384x3328xf32, #tpu.memory_space<hbm>> -> memref<4x3328xf32, #tpu.memory_space<hbm>>
    %dma_start3A_129 = arith.constant 0 : i32
    %dma_start3A_130 = tpu.memref_slice %arg4[%add3A_125, %dma_start3A_129] : memref<16384x3328xf32, #tpu.memory_space<hbm>> -> memref<4x3328xf32, #tpu.memory_space<hbm>>
    %dma_start3A_131 = tpu.memref_reshape %arg11 : memref<104x128xf32, #tpu.memory_space<vmem>> -> memref<4x3328xf32, #tpu.memory_space<vmem>>
    tpu.enqueue_dma source(%dma_start3A_131 : memref<4x3328xf32, #tpu.memory_space<vmem>>) target(%dma_start3A_130 : memref<4x3328xf32, #tpu.memory_space<hbm>>) target_semaphore(%arg27 : memref<!tpu.dma_semaphore, #tpu.memory_space<semaphore_mem>>)
    %dma_wait3A_132 = arith.constant 624 : i32
    %dma_wait3A_133 = tpu.memref_slice %arg5[%dma_wait3A_132] : memref<13312xi32, #tpu.memory_space<vmem>> -> memref<104xi32, #tpu.memory_space<vmem>>
    %dma_wait3A_134 = arith.constant 0 : i32
    %dma_wait3A_135 = arith.constant 0 : i32
    %dma_wait3A_136 = tpu.memref_slice %arg3[%dma_wait3A_134, %dma_wait3A_135] : memref<3328x128xf32, #tpu.memory_space<hbm>> -> memref<3328x128xf32, #tpu.memory_space<hbm>>
    tpu.wait_indirect_dma semaphore(%arg20 : memref<!tpu.dma_semaphore, #tpu.memory_space<semaphore_mem>>) src(%dma_wait3A_136 : memref<3328x128xf32, #tpu.memory_space<hbm>>) dst(%arg12 : memref<104x128xf32, #tpu.memory_space<vmem>>)
    %add3A_137 = arith.constant 24 : i32
    %add3A_138 = arith.addi %mul3A_4, %add3A_137 : i32
    %dma_start3A_139 = tpu.memref_reshape %arg12 : memref<104x128xf32, #tpu.memory_space<vmem>> -> memref<4x3328xf32, #tpu.memory_space<vmem>>
    %dma_start3A_140 = arith.constant 0 : i32
    %dma_start3A_141 = tpu.memref_slice %arg4[%add3A_138, %dma_start3A_140] : memref<16384x3328xf32, #tpu.memory_space<hbm>> -> memref<4x3328xf32, #tpu.memory_space<hbm>>
    %dma_start3A_142 = arith.constant 0 : i32
    %dma_start3A_143 = tpu.memref_slice %arg4[%add3A_138, %dma_start3A_142] : memref<16384x3328xf32, #tpu.memory_space<hbm>> -> memref<4x3328xf32, #tpu.memory_space<hbm>>
    %dma_start3A_144 = tpu.memref_reshape %arg12 : memref<104x128xf32, #tpu.memory_space<vmem>> -> memref<4x3328xf32, #tpu.memory_space<vmem>>
    tpu.enqueue_dma source(%dma_start3A_144 : memref<4x3328xf32, #tpu.memory_space<vmem>>) target(%dma_start3A_143 : memref<4x3328xf32, #tpu.memory_space<hbm>>) target_semaphore(%arg28 : memref<!tpu.dma_semaphore, #tpu.memory_space<semaphore_mem>>)
    %dma_wait3A_145 = arith.constant 728 : i32
    %dma_wait3A_146 = tpu.memref_slice %arg5[%dma_wait3A_145] : memref<13312xi32, #tpu.memory_space<vmem>> -> memref<104xi32, #tpu.memory_space<vmem>>
    %dma_wait3A_147 = arith.constant 0 : i32
    %dma_wait3A_148 = arith.constant 0 : i32
    %dma_wait3A_149 = tpu.memref_slice %arg3[%dma_wait3A_147, %dma_wait3A_148] : memref<3328x128xf32, #tpu.memory_space<hbm>> -> memref<3328x128xf32, #tpu.memory_space<hbm>>
    tpu.wait_indirect_dma semaphore(%arg21 : memref<!tpu.dma_semaphore, #tpu.memory_space<semaphore_mem>>) src(%dma_wait3A_149 : memref<3328x128xf32, #tpu.memory_space<hbm>>) dst(%arg13 : memref<104x128xf32, #tpu.memory_space<vmem>>)
    %add3A_150 = arith.constant 28 : i32
    %add3A_151 = arith.addi %mul3A_4, %add3A_150 : i32
    %dma_start3A_152 = tpu.memref_reshape %arg13 : memref<104x128xf32, #tpu.memory_space<vmem>> -> memref<4x3328xf32, #tpu.memory_space<vmem>>
    %dma_start3A_153 = arith.constant 0 : i32
    %dma_start3A_154 = tpu.memref_slice %arg4[%add3A_151, %dma_start3A_153] : memref<16384x3328xf32, #tpu.memory_space<hbm>> -> memref<4x3328xf32, #tpu.memory_space<hbm>>
    %dma_start3A_155 = arith.constant 0 : i32
    %dma_start3A_156 = tpu.memref_slice %arg4[%add3A_151, %dma_start3A_155] : memref<16384x3328xf32, #tpu.memory_space<hbm>> -> memref<4x3328xf32, #tpu.memory_space<hbm>>
    %dma_start3A_157 = tpu.memref_reshape %arg13 : memref<104x128xf32, #tpu.memory_space<vmem>> -> memref<4x3328xf32, #tpu.memory_space<vmem>>
    tpu.enqueue_dma source(%dma_start3A_157 : memref<4x3328xf32, #tpu.memory_space<vmem>>) target(%dma_start3A_156 : memref<4x3328xf32, #tpu.memory_space<hbm>>) target_semaphore(%arg29 : memref<!tpu.dma_semaphore, #tpu.memory_space<semaphore_mem>>)
    %scan3A_158 = arith.constant 0 : i32
    %scan3A_159 = arith.constant 1 : i32
    %scan3A_160 = arith.constant 15 : i32
    %scan3A_161 = arith.addi %scan3A_159, %scan3A_160 : i32
    %scan3A_162 = arith.constant 1 : i32
    scf.for %scan3A_212 = %scan3A_159 to %scan3A_161 step %scan3A_162  : i32 {
      %dma_wait3A_213 = tpu.memref_reshape %arg6 : memref<104x128xf32, #tpu.memory_space<vmem>> -> memref<4x3328xf32, #tpu.memory_space<vmem>>
      %dma_wait3A_214 = arith.constant 0 : i32
      %dma_wait3A_215 = tpu.memref_slice %arg4[%mul3A_4, %dma_wait3A_214] : memref<16384x3328xf32, #tpu.memory_space<hbm>> -> memref<4x3328xf32, #tpu.memory_space<hbm>>
      %dma_wait3A_216 = arith.constant 0 : i32
      %dma_wait3A_217 = tpu.memref_slice %arg4[%mul3A_4, %dma_wait3A_216] : memref<16384x3328xf32, #tpu.memory_space<hbm>> -> memref<4x3328xf32, #tpu.memory_space<hbm>>
      %dma_wait3A_218 = tpu.memref_reshape %arg6 : memref<104x128xf32, #tpu.memory_space<vmem>> -> memref<4x3328xf32, #tpu.memory_space<vmem>>
      tpu.wait_dma2 semaphore(%arg22 : memref<!tpu.dma_semaphore, #tpu.memory_space<semaphore_mem>>) src(%dma_wait3A_218 : memref<4x3328xf32, #tpu.memory_space<vmem>>) dst(%dma_wait3A_217 : memref<4x3328xf32, #tpu.memory_space<hbm>>)
      %mul3A_219 = arith.constant 8 : i32
      %mul3A_220 = arith.muli %scan3A_212, %mul3A_219 : i32
      %add3A_221 = arith.constant 0 : i32
      %add3A_222 = arith.addi %mul3A_220, %add3A_221 : i32
      %mul3A_223 = arith.constant 104 : i32
      %mul3A_224 = arith.muli %add3A_222, %mul3A_223 : i32
      %dma_start3A_225 = tpu.memref_slice %arg5[%mul3A_224] : memref<13312xi32, #tpu.memory_space<vmem>> -> memref<104xi32, #tpu.memory_space<vmem>>
      %dma_start3A_226 = arith.constant 0 : i32
      %dma_start3A_227 = arith.constant 0 : i32
      %dma_start3A_228 = tpu.memref_slice %arg3[%dma_start3A_226, %dma_start3A_227] : memref<3328x128xf32, #tpu.memory_space<hbm>> -> memref<3328x128xf32, #tpu.memory_space<hbm>>
      tpu.enqueue_indirect_dma source(%dma_start3A_228 : memref<3328x128xf32, #tpu.memory_space<hbm>>) target(%arg6 : memref<104x128xf32, #tpu.memory_space<vmem>>) offsets(%dma_start3A_225 : memref<104xi32, #tpu.memory_space<vmem>>) semaphore(%arg14 : memref<!tpu.dma_semaphore, #tpu.memory_space<semaphore_mem>>)
      %dma_wait3A_229 = tpu.memref_reshape %arg7 : memref<104x128xf32, #tpu.memory_space<vmem>> -> memref<4x3328xf32, #tpu.memory_space<vmem>>
      %dma_wait3A_230 = arith.constant 0 : i32
      %dma_wait3A_231 = tpu.memref_slice %arg4[%mul3A_4, %dma_wait3A_230] : memref<16384x3328xf32, #tpu.memory_space<hbm>> -> memref<4x3328xf32, #tpu.memory_space<hbm>>
      %dma_wait3A_232 = arith.constant 0 : i32
      %dma_wait3A_233 = tpu.memref_slice %arg4[%mul3A_4, %dma_wait3A_232] : memref<16384x3328xf32, #tpu.memory_space<hbm>> -> memref<4x3328xf32, #tpu.memory_space<hbm>>
      %dma_wait3A_234 = tpu.memref_reshape %arg7 : memref<104x128xf32, #tpu.memory_space<vmem>> -> memref<4x3328xf32, #tpu.memory_space<vmem>>
      tpu.wait_dma2 semaphore(%arg23 : memref<!tpu.dma_semaphore, #tpu.memory_space<semaphore_mem>>) src(%dma_wait3A_234 : memref<4x3328xf32, #tpu.memory_space<vmem>>) dst(%dma_wait3A_233 : memref<4x3328xf32, #tpu.memory_space<hbm>>)
      %mul3A_235 = arith.constant 8 : i32
      %mul3A_236 = arith.muli %scan3A_212, %mul3A_235 : i32
      %add3A_237 = arith.constant 1 : i32
      %add3A_238 = arith.addi %mul3A_236, %add3A_237 : i32
      %mul3A_239 = arith.constant 104 : i32
      %mul3A_240 = arith.muli %add3A_238, %mul3A_239 : i32
      %dma_start3A_241 = tpu.memref_slice %arg5[%mul3A_240] : memref<13312xi32, #tpu.memory_space<vmem>> -> memref<104xi32, #tpu.memory_space<vmem>>
      %dma_start3A_242 = arith.constant 0 : i32
      %dma_start3A_243 = arith.constant 0 : i32
      %dma_start3A_244 = tpu.memref_slice %arg3[%dma_start3A_242, %dma_start3A_243] : memref<3328x128xf32, #tpu.memory_space<hbm>> -> memref<3328x128xf32, #tpu.memory_space<hbm>>
      tpu.enqueue_indirect_dma source(%dma_start3A_244 : memref<3328x128xf32, #tpu.memory_space<hbm>>) target(%arg7 : memref<104x128xf32, #tpu.memory_space<vmem>>) offsets(%dma_start3A_241 : memref<104xi32, #tpu.memory_space<vmem>>) semaphore(%arg15 : memref<!tpu.dma_semaphore, #tpu.memory_space<semaphore_mem>>)
      %dma_wait3A_245 = tpu.memref_reshape %arg8 : memref<104x128xf32, #tpu.memory_space<vmem>> -> memref<4x3328xf32, #tpu.memory_space<vmem>>
      %dma_wait3A_246 = arith.constant 0 : i32
      %dma_wait3A_247 = tpu.memref_slice %arg4[%mul3A_4, %dma_wait3A_246] : memref<16384x3328xf32, #tpu.memory_space<hbm>> -> memref<4x3328xf32, #tpu.memory_space<hbm>>
      %dma_wait3A_248 = arith.constant 0 : i32
      %dma_wait3A_249 = tpu.memref_slice %arg4[%mul3A_4, %dma_wait3A_248] : memref<16384x3328xf32, #tpu.memory_space<hbm>> -> memref<4x3328xf32, #tpu.memory_space<hbm>>
      %dma_wait3A_250 = tpu.memref_reshape %arg8 : memref<104x128xf32, #tpu.memory_space<vmem>> -> memref<4x3328xf32, #tpu.memory_space<vmem>>
      tpu.wait_dma2 semaphore(%arg24 : memref<!tpu.dma_semaphore, #tpu.memory_space<semaphore_mem>>) src(%dma_wait3A_250 : memref<4x3328xf32, #tpu.memory_space<vmem>>) dst(%dma_wait3A_249 : memref<4x3328xf32, #tpu.memory_space<hbm>>)
      %mul3A_251 = arith.constant 8 : i32
      %mul3A_252 = arith.muli %scan3A_212, %mul3A_251 : i32
      %add3A_253 = arith.constant 2 : i32
      %add3A_254 = arith.addi %mul3A_252, %add3A_253 : i32
      %mul3A_255 = arith.constant 104 : i32
      %mul3A_256 = arith.muli %add3A_254, %mul3A_255 : i32
      %dma_start3A_257 = tpu.memref_slice %arg5[%mul3A_256] : memref<13312xi32, #tpu.memory_space<vmem>> -> memref<104xi32, #tpu.memory_space<vmem>>
      %dma_start3A_258 = arith.constant 0 : i32
      %dma_start3A_259 = arith.constant 0 : i32
      %dma_start3A_260 = tpu.memref_slice %arg3[%dma_start3A_258, %dma_start3A_259] : memref<3328x128xf32, #tpu.memory_space<hbm>> -> memref<3328x128xf32, #tpu.memory_space<hbm>>
      tpu.enqueue_indirect_dma source(%dma_start3A_260 : memref<3328x128xf32, #tpu.memory_space<hbm>>) target(%arg8 : memref<104x128xf32, #tpu.memory_space<vmem>>) offsets(%dma_start3A_257 : memref<104xi32, #tpu.memory_space<vmem>>) semaphore(%arg16 : memref<!tpu.dma_semaphore, #tpu.memory_space<semaphore_mem>>)
      %dma_wait3A_261 = tpu.memref_reshape %arg9 : memref<104x128xf32, #tpu.memory_space<vmem>> -> memref<4x3328xf32, #tpu.memory_space<vmem>>
      %dma_wait3A_262 = arith.constant 0 : i32
      %dma_wait3A_263 = tpu.memref_slice %arg4[%mul3A_4, %dma_wait3A_262] : memref<16384x3328xf32, #tpu.memory_space<hbm>> -> memref<4x3328xf32, #tpu.memory_space<hbm>>
      %dma_wait3A_264 = arith.constant 0 : i32
      %dma_wait3A_265 = tpu.memref_slice %arg4[%mul3A_4, %dma_wait3A_264] : memref<16384x3328xf32, #tpu.memory_space<hbm>> -> memref<4x3328xf32, #tpu.memory_space<hbm>>
      %dma_wait3A_266 = tpu.memref_reshape %arg9 : memref<104x128xf32, #tpu.memory_space<vmem>> -> memref<4x3328xf32, #tpu.memory_space<vmem>>
      tpu.wait_dma2 semaphore(%arg25 : memref<!tpu.dma_semaphore, #tpu.memory_space<semaphore_mem>>) src(%dma_wait3A_266 : memref<4x3328xf32, #tpu.memory_space<vmem>>) dst(%dma_wait3A_265 : memref<4x3328xf32, #tpu.memory_space<hbm>>)
      %mul3A_267 = arith.constant 8 : i32
      %mul3A_268 = arith.muli %scan3A_212, %mul3A_267 : i32
      %add3A_269 = arith.constant 3 : i32
      %add3A_270 = arith.addi %mul3A_268, %add3A_269 : i32
      %mul3A_271 = arith.constant 104 : i32
      %mul3A_272 = arith.muli %add3A_270, %mul3A_271 : i32
      %dma_start3A_273 = tpu.memref_slice %arg5[%mul3A_272] : memref<13312xi32, #tpu.memory_space<vmem>> -> memref<104xi32, #tpu.memory_space<vmem>>
      %dma_start3A_274 = arith.constant 0 : i32
      %dma_start3A_275 = arith.constant 0 : i32
      %dma_start3A_276 = tpu.memref_slice %arg3[%dma_start3A_274, %dma_start3A_275] : memref<3328x128xf32, #tpu.memory_space<hbm>> -> memref<3328x128xf32, #tpu.memory_space<hbm>>
      tpu.enqueue_indirect_dma source(%dma_start3A_276 : memref<3328x128xf32, #tpu.memory_space<hbm>>) target(%arg9 : memref<104x128xf32, #tpu.memory_space<vmem>>) offsets(%dma_start3A_273 : memref<104xi32, #tpu.memory_space<vmem>>) semaphore(%arg17 : memref<!tpu.dma_semaphore, #tpu.memory_space<semaphore_mem>>)
      %dma_wait3A_277 = tpu.memref_reshape %arg10 : memref<104x128xf32, #tpu.memory_space<vmem>> -> memref<4x3328xf32, #tpu.memory_space<vmem>>
      %dma_wait3A_278 = arith.constant 0 : i32
      %dma_wait3A_279 = tpu.memref_slice %arg4[%mul3A_4, %dma_wait3A_278] : memref<16384x3328xf32, #tpu.memory_space<hbm>> -> memref<4x3328xf32, #tpu.memory_space<hbm>>
      %dma_wait3A_280 = arith.constant 0 : i32
      %dma_wait3A_281 = tpu.memref_slice %arg4[%mul3A_4, %dma_wait3A_280] : memref<16384x3328xf32, #tpu.memory_space<hbm>> -> memref<4x3328xf32, #tpu.memory_space<hbm>>
      %dma_wait3A_282 = tpu.memref_reshape %arg10 : memref<104x128xf32, #tpu.memory_space<vmem>> -> memref<4x3328xf32, #tpu.memory_space<vmem>>
      tpu.wait_dma2 semaphore(%arg26 : memref<!tpu.dma_semaphore, #tpu.memory_space<semaphore_mem>>) src(%dma_wait3A_282 : memref<4x3328xf32, #tpu.memory_space<vmem>>) dst(%dma_wait3A_281 : memref<4x3328xf32, #tpu.memory_space<hbm>>)
      %mul3A_283 = arith.constant 8 : i32
      %mul3A_284 = arith.muli %scan3A_212, %mul3A_283 : i32
      %add3A_285 = arith.constant 4 : i32
      %add3A_286 = arith.addi %mul3A_284, %add3A_285 : i32
      %mul3A_287 = arith.constant 104 : i32
      %mul3A_288 = arith.muli %add3A_286, %mul3A_287 : i32
      %dma_start3A_289 = tpu.memref_slice %arg5[%mul3A_288] : memref<13312xi32, #tpu.memory_space<vmem>> -> memref<104xi32, #tpu.memory_space<vmem>>
      %dma_start3A_290 = arith.constant 0 : i32
      %dma_start3A_291 = arith.constant 0 : i32
      %dma_start3A_292 = tpu.memref_slice %arg3[%dma_start3A_290, %dma_start3A_291] : memref<3328x128xf32, #tpu.memory_space<hbm>> -> memref<3328x128xf32, #tpu.memory_space<hbm>>
      tpu.enqueue_indirect_dma source(%dma_start3A_292 : memref<3328x128xf32, #tpu.memory_space<hbm>>) target(%arg10 : memref<104x128xf32, #tpu.memory_space<vmem>>) offsets(%dma_start3A_289 : memref<104xi32, #tpu.memory_space<vmem>>) semaphore(%arg18 : memref<!tpu.dma_semaphore, #tpu.memory_space<semaphore_mem>>)
      %dma_wait3A_293 = tpu.memref_reshape %arg11 : memref<104x128xf32, #tpu.memory_space<vmem>> -> memref<4x3328xf32, #tpu.memory_space<vmem>>
      %dma_wait3A_294 = arith.constant 0 : i32
      %dma_wait3A_295 = tpu.memref_slice %arg4[%mul3A_4, %dma_wait3A_294] : memref<16384x3328xf32, #tpu.memory_space<hbm>> -> memref<4x3328xf32, #tpu.memory_space<hbm>>
      %dma_wait3A_296 = arith.constant 0 : i32
      %dma_wait3A_297 = tpu.memref_slice %arg4[%mul3A_4, %dma_wait3A_296] : memref<16384x3328xf32, #tpu.memory_space<hbm>> -> memref<4x3328xf32, #tpu.memory_space<hbm>>
      %dma_wait3A_298 = tpu.memref_reshape %arg11 : memref<104x128xf32, #tpu.memory_space<vmem>> -> memref<4x3328xf32, #tpu.memory_space<vmem>>
      tpu.wait_dma2 semaphore(%arg27 : memref<!tpu.dma_semaphore, #tpu.memory_space<semaphore_mem>>) src(%dma_wait3A_298 : memref<4x3328xf32, #tpu.memory_space<vmem>>) dst(%dma_wait3A_297 : memref<4x3328xf32, #tpu.memory_space<hbm>>)
      %mul3A_299 = arith.constant 8 : i32
      %mul3A_300 = arith.muli %scan3A_212, %mul3A_299 : i32
      %add3A_301 = arith.constant 5 : i32
      %add3A_302 = arith.addi %mul3A_300, %add3A_301 : i32
      %mul3A_303 = arith.constant 104 : i32
      %mul3A_304 = arith.muli %add3A_302, %mul3A_303 : i32
      %dma_start3A_305 = tpu.memref_slice %arg5[%mul3A_304] : memref<13312xi32, #tpu.memory_space<vmem>> -> memref<104xi32, #tpu.memory_space<vmem>>
      %dma_start3A_306 = arith.constant 0 : i32
      %dma_start3A_307 = arith.constant 0 : i32
      %dma_start3A_308 = tpu.memref_slice %arg3[%dma_start3A_306, %dma_start3A_307] : memref<3328x128xf32, #tpu.memory_space<hbm>> -> memref<3328x128xf32, #tpu.memory_space<hbm>>
      tpu.enqueue_indirect_dma source(%dma_start3A_308 : memref<3328x128xf32, #tpu.memory_space<hbm>>) target(%arg11 : memref<104x128xf32, #tpu.memory_space<vmem>>) offsets(%dma_start3A_305 : memref<104xi32, #tpu.memory_space<vmem>>) semaphore(%arg19 : memref<!tpu.dma_semaphore, #tpu.memory_space<semaphore_mem>>)
      %dma_wait3A_309 = tpu.memref_reshape %arg12 : memref<104x128xf32, #tpu.memory_space<vmem>> -> memref<4x3328xf32, #tpu.memory_space<vmem>>
      %dma_wait3A_310 = arith.constant 0 : i32
      %dma_wait3A_311 = tpu.memref_slice %arg4[%mul3A_4, %dma_wait3A_310] : memref<16384x3328xf32, #tpu.memory_space<hbm>> -> memref<4x3328xf32, #tpu.memory_space<hbm>>
      %dma_wait3A_312 = arith.constant 0 : i32
      %dma_wait3A_313 = tpu.memref_slice %arg4[%mul3A_4, %dma_wait3A_312] : memref<16384x3328xf32, #tpu.memory_space<hbm>> -> memref<4x3328xf32, #tpu.memory_space<hbm>>
      %dma_wait3A_314 = tpu.memref_reshape %arg12 : memref<104x128xf32, #tpu.memory_space<vmem>> -> memref<4x3328xf32, #tpu.memory_space<vmem>>
      tpu.wait_dma2 semaphore(%arg28 : memref<!tpu.dma_semaphore, #tpu.memory_space<semaphore_mem>>) src(%dma_wait3A_314 : memref<4x3328xf32, #tpu.memory_space<vmem>>) dst(%dma_wait3A_313 : memref<4x3328xf32, #tpu.memory_space<hbm>>)
      %mul3A_315 = arith.constant 8 : i32
      %mul3A_316 = arith.muli %scan3A_212, %mul3A_315 : i32
      %add3A_317 = arith.constant 6 : i32
      %add3A_318 = arith.addi %mul3A_316, %add3A_317 : i32
      %mul3A_319 = arith.constant 104 : i32
      %mul3A_320 = arith.muli %add3A_318, %mul3A_319 : i32
      %dma_start3A_321 = tpu.memref_slice %arg5[%mul3A_320] : memref<13312xi32, #tpu.memory_space<vmem>> -> memref<104xi32, #tpu.memory_space<vmem>>
      %dma_start3A_322 = arith.constant 0 : i32
      %dma_start3A_323 = arith.constant 0 : i32
      %dma_start3A_324 = tpu.memref_slice %arg3[%dma_start3A_322, %dma_start3A_323] : memref<3328x128xf32, #tpu.memory_space<hbm>> -> memref<3328x128xf32, #tpu.memory_space<hbm>>
      tpu.enqueue_indirect_dma source(%dma_start3A_324 : memref<3328x128xf32, #tpu.memory_space<hbm>>) target(%arg12 : memref<104x128xf32, #tpu.memory_space<vmem>>) offsets(%dma_start3A_321 : memref<104xi32, #tpu.memory_space<vmem>>) semaphore(%arg20 : memref<!tpu.dma_semaphore, #tpu.memory_space<semaphore_mem>>)
      %dma_wait3A_325 = tpu.memref_reshape %arg13 : memref<104x128xf32, #tpu.memory_space<vmem>> -> memref<4x3328xf32, #tpu.memory_space<vmem>>
      %dma_wait3A_326 = arith.constant 0 : i32
      %dma_wait3A_327 = tpu.memref_slice %arg4[%mul3A_4, %dma_wait3A_326] : memref<16384x3328xf32, #tpu.memory_space<hbm>> -> memref<4x3328xf32, #tpu.memory_space<hbm>>
      %dma_wait3A_328 = arith.constant 0 : i32
      %dma_wait3A_329 = tpu.memref_slice %arg4[%mul3A_4, %dma_wait3A_328] : memref<16384x3328xf32, #tpu.memory_space<hbm>> -> memref<4x3328xf32, #tpu.memory_space<hbm>>
      %dma_wait3A_330 = tpu.memref_reshape %arg13 : memref<104x128xf32, #tpu.memory_space<vmem>> -> memref<4x3328xf32, #tpu.memory_space<vmem>>
      tpu.wait_dma2 semaphore(%arg29 : memref<!tpu.dma_semaphore, #tpu.memory_space<semaphore_mem>>) src(%dma_wait3A_330 : memref<4x3328xf32, #tpu.memory_space<vmem>>) dst(%dma_wait3A_329 : memref<4x3328xf32, #tpu.memory_space<hbm>>)
      %mul3A_331 = arith.constant 8 : i32
      %mul3A_332 = arith.muli %scan3A_212, %mul3A_331 : i32
      %add3A_333 = arith.constant 7 : i32
      %add3A_334 = arith.addi %mul3A_332, %add3A_333 : i32
      %mul3A_335 = arith.constant 104 : i32
      %mul3A_336 = arith.muli %add3A_334, %mul3A_335 : i32
      %dma_start3A_337 = tpu.memref_slice %arg5[%mul3A_336] : memref<13312xi32, #tpu.memory_space<vmem>> -> memref<104xi32, #tpu.memory_space<vmem>>
      %dma_start3A_338 = arith.constant 0 : i32
      %dma_start3A_339 = arith.constant 0 : i32
      %dma_start3A_340 = tpu.memref_slice %arg3[%dma_start3A_338, %dma_start3A_339] : memref<3328x128xf32, #tpu.memory_space<hbm>> -> memref<3328x128xf32, #tpu.memory_space<hbm>>
      tpu.enqueue_indirect_dma source(%dma_start3A_340 : memref<3328x128xf32, #tpu.memory_space<hbm>>) target(%arg13 : memref<104x128xf32, #tpu.memory_space<vmem>>) offsets(%dma_start3A_337 : memref<104xi32, #tpu.memory_space<vmem>>) semaphore(%arg21 : memref<!tpu.dma_semaphore, #tpu.memory_space<semaphore_mem>>)
      %dma_wait3A_341 = tpu.memref_slice %arg5[%mul3A_224] : memref<13312xi32, #tpu.memory_space<vmem>> -> memref<104xi32, #tpu.memory_space<vmem>>
      %dma_wait3A_342 = arith.constant 0 : i32
      %dma_wait3A_343 = arith.constant 0 : i32
      %dma_wait3A_344 = tpu.memref_slice %arg3[%dma_wait3A_342, %dma_wait3A_343] : memref<3328x128xf32, #tpu.memory_space<hbm>> -> memref<3328x128xf32, #tpu.memory_space<hbm>>
      tpu.wait_indirect_dma semaphore(%arg14 : memref<!tpu.dma_semaphore, #tpu.memory_space<semaphore_mem>>) src(%dma_wait3A_344 : memref<3328x128xf32, #tpu.memory_space<hbm>>) dst(%arg6 : memref<104x128xf32, #tpu.memory_space<vmem>>)
      %mul3A_345 = arith.constant 8 : i32
      %mul3A_346 = arith.muli %scan3A_212, %mul3A_345 : i32
      %add3A_347 = arith.constant 0 : i32
      %add3A_348 = arith.addi %mul3A_346, %add3A_347 : i32
      %mul3A_349 = arith.constant 4 : i32
      %mul3A_350 = arith.muli %add3A_348, %mul3A_349 : i32
      %add3A_351 = arith.addi %mul3A_4, %mul3A_350 : i32
      %dma_start3A_352 = tpu.memref_reshape %arg6 : memref<104x128xf32, #tpu.memory_space<vmem>> -> memref<4x3328xf32, #tpu.memory_space<vmem>>
      %dma_start3A_353 = arith.constant 0 : i32
      %dma_start3A_354 = tpu.memref_slice %arg4[%add3A_351, %dma_start3A_353] : memref<16384x3328xf32, #tpu.memory_space<hbm>> -> memref<4x3328xf32, #tpu.memory_space<hbm>>
      %dma_start3A_355 = arith.constant 0 : i32
      %dma_start3A_356 = tpu.memref_slice %arg4[%add3A_351, %dma_start3A_355] : memref<16384x3328xf32, #tpu.memory_space<hbm>> -> memref<4x3328xf32, #tpu.memory_space<hbm>>
      %dma_start3A_357 = tpu.memref_reshape %arg6 : memref<104x128xf32, #tpu.memory_space<vmem>> -> memref<4x3328xf32, #tpu.memory_space<vmem>>
      tpu.enqueue_dma source(%dma_start3A_357 : memref<4x3328xf32, #tpu.memory_space<vmem>>) target(%dma_start3A_356 : memref<4x3328xf32, #tpu.memory_space<hbm>>) target_semaphore(%arg22 : memref<!tpu.dma_semaphore, #tpu.memory_space<semaphore_mem>>)
      %dma_wait3A_358 = tpu.memref_slice %arg5[%mul3A_240] : memref<13312xi32, #tpu.memory_space<vmem>> -> memref<104xi32, #tpu.memory_space<vmem>>
      %dma_wait3A_359 = arith.constant 0 : i32
      %dma_wait3A_360 = arith.constant 0 : i32
      %dma_wait3A_361 = tpu.memref_slice %arg3[%dma_wait3A_359, %dma_wait3A_360] : memref<3328x128xf32, #tpu.memory_space<hbm>> -> memref<3328x128xf32, #tpu.memory_space<hbm>>
      tpu.wait_indirect_dma semaphore(%arg15 : memref<!tpu.dma_semaphore, #tpu.memory_space<semaphore_mem>>) src(%dma_wait3A_361 : memref<3328x128xf32, #tpu.memory_space<hbm>>) dst(%arg7 : memref<104x128xf32, #tpu.memory_space<vmem>>)
      %mul3A_362 = arith.constant 8 : i32
      %mul3A_363 = arith.muli %scan3A_212, %mul3A_362 : i32
      %add3A_364 = arith.constant 1 : i32
      %add3A_365 = arith.addi %mul3A_363, %add3A_364 : i32
      %mul3A_366 = arith.constant 4 : i32
      %mul3A_367 = arith.muli %add3A_365, %mul3A_366 : i32
      %add3A_368 = arith.addi %mul3A_4, %mul3A_367 : i32
      %dma_start3A_369 = tpu.memref_reshape %arg7 : memref<104x128xf32, #tpu.memory_space<vmem>> -> memref<4x3328xf32, #tpu.memory_space<vmem>>
      %dma_start3A_370 = arith.constant 0 : i32
      %dma_start3A_371 = tpu.memref_slice %arg4[%add3A_368, %dma_start3A_370] : memref<16384x3328xf32, #tpu.memory_space<hbm>> -> memref<4x3328xf32, #tpu.memory_space<hbm>>
      %dma_start3A_372 = arith.constant 0 : i32
      %dma_start3A_373 = tpu.memref_slice %arg4[%add3A_368, %dma_start3A_372] : memref<16384x3328xf32, #tpu.memory_space<hbm>> -> memref<4x3328xf32, #tpu.memory_space<hbm>>
      %dma_start3A_374 = tpu.memref_reshape %arg7 : memref<104x128xf32, #tpu.memory_space<vmem>> -> memref<4x3328xf32, #tpu.memory_space<vmem>>
      tpu.enqueue_dma source(%dma_start3A_374 : memref<4x3328xf32, #tpu.memory_space<vmem>>) target(%dma_start3A_373 : memref<4x3328xf32, #tpu.memory_space<hbm>>) target_semaphore(%arg23 : memref<!tpu.dma_semaphore, #tpu.memory_space<semaphore_mem>>)
      %dma_wait3A_375 = tpu.memref_slice %arg5[%mul3A_256] : memref<13312xi32, #tpu.memory_space<vmem>> -> memref<104xi32, #tpu.memory_space<vmem>>
      %dma_wait3A_376 = arith.constant 0 : i32
      %dma_wait3A_377 = arith.constant 0 : i32
      %dma_wait3A_378 = tpu.memref_slice %arg3[%dma_wait3A_376, %dma_wait3A_377] : memref<3328x128xf32, #tpu.memory_space<hbm>> -> memref<3328x128xf32, #tpu.memory_space<hbm>>
      tpu.wait_indirect_dma semaphore(%arg16 : memref<!tpu.dma_semaphore, #tpu.memory_space<semaphore_mem>>) src(%dma_wait3A_378 : memref<3328x128xf32, #tpu.memory_space<hbm>>) dst(%arg8 : memref<104x128xf32, #tpu.memory_space<vmem>>)
      %mul3A_379 = arith.constant 8 : i32
      %mul3A_380 = arith.muli %scan3A_212, %mul3A_379 : i32
      %add3A_381 = arith.constant 2 : i32
      %add3A_382 = arith.addi %mul3A_380, %add3A_381 : i32
      %mul3A_383 = arith.constant 4 : i32
      %mul3A_384 = arith.muli %add3A_382, %mul3A_383 : i32
      %add3A_385 = arith.addi %mul3A_4, %mul3A_384 : i32
      %dma_start3A_386 = tpu.memref_reshape %arg8 : memref<104x128xf32, #tpu.memory_space<vmem>> -> memref<4x3328xf32, #tpu.memory_space<vmem>>
      %dma_start3A_387 = arith.constant 0 : i32
      %dma_start3A_388 = tpu.memref_slice %arg4[%add3A_385, %dma_start3A_387] : memref<16384x3328xf32, #tpu.memory_space<hbm>> -> memref<4x3328xf32, #tpu.memory_space<hbm>>
      %dma_start3A_389 = arith.constant 0 : i32
      %dma_start3A_390 = tpu.memref_slice %arg4[%add3A_385, %dma_start3A_389] : memref<16384x3328xf32, #tpu.memory_space<hbm>> -> memref<4x3328xf32, #tpu.memory_space<hbm>>
      %dma_start3A_391 = tpu.memref_reshape %arg8 : memref<104x128xf32, #tpu.memory_space<vmem>> -> memref<4x3328xf32, #tpu.memory_space<vmem>>
      tpu.enqueue_dma source(%dma_start3A_391 : memref<4x3328xf32, #tpu.memory_space<vmem>>) target(%dma_start3A_390 : memref<4x3328xf32, #tpu.memory_space<hbm>>) target_semaphore(%arg24 : memref<!tpu.dma_semaphore, #tpu.memory_space<semaphore_mem>>)
      %dma_wait3A_392 = tpu.memref_slice %arg5[%mul3A_272] : memref<13312xi32, #tpu.memory_space<vmem>> -> memref<104xi32, #tpu.memory_space<vmem>>
      %dma_wait3A_393 = arith.constant 0 : i32
      %dma_wait3A_394 = arith.constant 0 : i32
      %dma_wait3A_395 = tpu.memref_slice %arg3[%dma_wait3A_393, %dma_wait3A_394] : memref<3328x128xf32, #tpu.memory_space<hbm>> -> memref<3328x128xf32, #tpu.memory_space<hbm>>
      tpu.wait_indirect_dma semaphore(%arg17 : memref<!tpu.dma_semaphore, #tpu.memory_space<semaphore_mem>>) src(%dma_wait3A_395 : memref<3328x128xf32, #tpu.memory_space<hbm>>) dst(%arg9 : memref<104x128xf32, #tpu.memory_space<vmem>>)
      %mul3A_396 = arith.constant 8 : i32
      %mul3A_397 = arith.muli %scan3A_212, %mul3A_396 : i32
      %add3A_398 = arith.constant 3 : i32
      %add3A_399 = arith.addi %mul3A_397, %add3A_398 : i32
      %mul3A_400 = arith.constant 4 : i32
      %mul3A_401 = arith.muli %add3A_399, %mul3A_400 : i32
      %add3A_402 = arith.addi %mul3A_4, %mul3A_401 : i32
      %dma_start3A_403 = tpu.memref_reshape %arg9 : memref<104x128xf32, #tpu.memory_space<vmem>> -> memref<4x3328xf32, #tpu.memory_space<vmem>>
      %dma_start3A_404 = arith.constant 0 : i32
      %dma_start3A_405 = tpu.memref_slice %arg4[%add3A_402, %dma_start3A_404] : memref<16384x3328xf32, #tpu.memory_space<hbm>> -> memref<4x3328xf32, #tpu.memory_space<hbm>>
      %dma_start3A_406 = arith.constant 0 : i32
      %dma_start3A_407 = tpu.memref_slice %arg4[%add3A_402, %dma_start3A_406] : memref<16384x3328xf32, #tpu.memory_space<hbm>> -> memref<4x3328xf32, #tpu.memory_space<hbm>>
      %dma_start3A_408 = tpu.memref_reshape %arg9 : memref<104x128xf32, #tpu.memory_space<vmem>> -> memref<4x3328xf32, #tpu.memory_space<vmem>>
      tpu.enqueue_dma source(%dma_start3A_408 : memref<4x3328xf32, #tpu.memory_space<vmem>>) target(%dma_start3A_407 : memref<4x3328xf32, #tpu.memory_space<hbm>>) target_semaphore(%arg25 : memref<!tpu.dma_semaphore, #tpu.memory_space<semaphore_mem>>)
      %dma_wait3A_409 = tpu.memref_slice %arg5[%mul3A_288] : memref<13312xi32, #tpu.memory_space<vmem>> -> memref<104xi32, #tpu.memory_space<vmem>>
      %dma_wait3A_410 = arith.constant 0 : i32
      %dma_wait3A_411 = arith.constant 0 : i32
      %dma_wait3A_412 = tpu.memref_slice %arg3[%dma_wait3A_410, %dma_wait3A_411] : memref<3328x128xf32, #tpu.memory_space<hbm>> -> memref<3328x128xf32, #tpu.memory_space<hbm>>
      tpu.wait_indirect_dma semaphore(%arg18 : memref<!tpu.dma_semaphore, #tpu.memory_space<semaphore_mem>>) src(%dma_wait3A_412 : memref<3328x128xf32, #tpu.memory_space<hbm>>) dst(%arg10 : memref<104x128xf32, #tpu.memory_space<vmem>>)
      %mul3A_413 = arith.constant 8 : i32
      %mul3A_414 = arith.muli %scan3A_212, %mul3A_413 : i32
      %add3A_415 = arith.constant 4 : i32
      %add3A_416 = arith.addi %mul3A_414, %add3A_415 : i32
      %mul3A_417 = arith.constant 4 : i32
      %mul3A_418 = arith.muli %add3A_416, %mul3A_417 : i32
      %add3A_419 = arith.addi %mul3A_4, %mul3A_418 : i32
      %dma_start3A_420 = tpu.memref_reshape %arg10 : memref<104x128xf32, #tpu.memory_space<vmem>> -> memref<4x3328xf32, #tpu.memory_space<vmem>>
      %dma_start3A_421 = arith.constant 0 : i32
      %dma_start3A_422 = tpu.memref_slice %arg4[%add3A_419, %dma_start3A_421] : memref<16384x3328xf32, #tpu.memory_space<hbm>> -> memref<4x3328xf32, #tpu.memory_space<hbm>>
      %dma_start3A_423 = arith.constant 0 : i32
      %dma_start3A_424 = tpu.memref_slice %arg4[%add3A_419, %dma_start3A_423] : memref<16384x3328xf32, #tpu.memory_space<hbm>> -> memref<4x3328xf32, #tpu.memory_space<hbm>>
      %dma_start3A_425 = tpu.memref_reshape %arg10 : memref<104x128xf32, #tpu.memory_space<vmem>> -> memref<4x3328xf32, #tpu.memory_space<vmem>>
      tpu.enqueue_dma source(%dma_start3A_425 : memref<4x3328xf32, #tpu.memory_space<vmem>>) target(%dma_start3A_424 : memref<4x3328xf32, #tpu.memory_space<hbm>>) target_semaphore(%arg26 : memref<!tpu.dma_semaphore, #tpu.memory_space<semaphore_mem>>)
      %dma_wait3A_426 = tpu.memref_slice %arg5[%mul3A_304] : memref<13312xi32, #tpu.memory_space<vmem>> -> memref<104xi32, #tpu.memory_space<vmem>>
      %dma_wait3A_427 = arith.constant 0 : i32
      %dma_wait3A_428 = arith.constant 0 : i32
      %dma_wait3A_429 = tpu.memref_slice %arg3[%dma_wait3A_427, %dma_wait3A_428] : memref<3328x128xf32, #tpu.memory_space<hbm>> -> memref<3328x128xf32, #tpu.memory_space<hbm>>
      tpu.wait_indirect_dma semaphore(%arg19 : memref<!tpu.dma_semaphore, #tpu.memory_space<semaphore_mem>>) src(%dma_wait3A_429 : memref<3328x128xf32, #tpu.memory_space<hbm>>) dst(%arg11 : memref<104x128xf32, #tpu.memory_space<vmem>>)
      %mul3A_430 = arith.constant 8 : i32
      %mul3A_431 = arith.muli %scan3A_212, %mul3A_430 : i32
      %add3A_432 = arith.constant 5 : i32
      %add3A_433 = arith.addi %mul3A_431, %add3A_432 : i32
      %mul3A_434 = arith.constant 4 : i32
      %mul3A_435 = arith.muli %add3A_433, %mul3A_434 : i32
      %add3A_436 = arith.addi %mul3A_4, %mul3A_435 : i32
      %dma_start3A_437 = tpu.memref_reshape %arg11 : memref<104x128xf32, #tpu.memory_space<vmem>> -> memref<4x3328xf32, #tpu.memory_space<vmem>>
      %dma_start3A_438 = arith.constant 0 : i32
      %dma_start3A_439 = tpu.memref_slice %arg4[%add3A_436, %dma_start3A_438] : memref<16384x3328xf32, #tpu.memory_space<hbm>> -> memref<4x3328xf32, #tpu.memory_space<hbm>>
      %dma_start3A_440 = arith.constant 0 : i32
      %dma_start3A_441 = tpu.memref_slice %arg4[%add3A_436, %dma_start3A_440] : memref<16384x3328xf32, #tpu.memory_space<hbm>> -> memref<4x3328xf32, #tpu.memory_space<hbm>>
      %dma_start3A_442 = tpu.memref_reshape %arg11 : memref<104x128xf32, #tpu.memory_space<vmem>> -> memref<4x3328xf32, #tpu.memory_space<vmem>>
      tpu.enqueue_dma source(%dma_start3A_442 : memref<4x3328xf32, #tpu.memory_space<vmem>>) target(%dma_start3A_441 : memref<4x3328xf32, #tpu.memory_space<hbm>>) target_semaphore(%arg27 : memref<!tpu.dma_semaphore, #tpu.memory_space<semaphore_mem>>)
      %dma_wait3A_443 = tpu.memref_slice %arg5[%mul3A_320] : memref<13312xi32, #tpu.memory_space<vmem>> -> memref<104xi32, #tpu.memory_space<vmem>>
      %dma_wait3A_444 = arith.constant 0 : i32
      %dma_wait3A_445 = arith.constant 0 : i32
      %dma_wait3A_446 = tpu.memref_slice %arg3[%dma_wait3A_444, %dma_wait3A_445] : memref<3328x128xf32, #tpu.memory_space<hbm>> -> memref<3328x128xf32, #tpu.memory_space<hbm>>
      tpu.wait_indirect_dma semaphore(%arg20 : memref<!tpu.dma_semaphore, #tpu.memory_space<semaphore_mem>>) src(%dma_wait3A_446 : memref<3328x128xf32, #tpu.memory_space<hbm>>) dst(%arg12 : memref<104x128xf32, #tpu.memory_space<vmem>>)
      %mul3A_447 = arith.constant 8 : i32
      %mul3A_448 = arith.muli %scan3A_212, %mul3A_447 : i32
      %add3A_449 = arith.constant 6 : i32
      %add3A_450 = arith.addi %mul3A_448, %add3A_449 : i32
      %mul3A_451 = arith.constant 4 : i32
      %mul3A_452 = arith.muli %add3A_450, %mul3A_451 : i32
      %add3A_453 = arith.addi %mul3A_4, %mul3A_452 : i32
      %dma_start3A_454 = tpu.memref_reshape %arg12 : memref<104x128xf32, #tpu.memory_space<vmem>> -> memref<4x3328xf32, #tpu.memory_space<vmem>>
      %dma_start3A_455 = arith.constant 0 : i32
      %dma_start3A_456 = tpu.memref_slice %arg4[%add3A_453, %dma_start3A_455] : memref<16384x3328xf32, #tpu.memory_space<hbm>> -> memref<4x3328xf32, #tpu.memory_space<hbm>>
      %dma_start3A_457 = arith.constant 0 : i32
      %dma_start3A_458 = tpu.memref_slice %arg4[%add3A_453, %dma_start3A_457] : memref<16384x3328xf32, #tpu.memory_space<hbm>> -> memref<4x3328xf32, #tpu.memory_space<hbm>>
      %dma_start3A_459 = tpu.memref_reshape %arg12 : memref<104x128xf32, #tpu.memory_space<vmem>> -> memref<4x3328xf32, #tpu.memory_space<vmem>>
      tpu.enqueue_dma source(%dma_start3A_459 : memref<4x3328xf32, #tpu.memory_space<vmem>>) target(%dma_start3A_458 : memref<4x3328xf32, #tpu.memory_space<hbm>>) target_semaphore(%arg28 : memref<!tpu.dma_semaphore, #tpu.memory_space<semaphore_mem>>)
      %dma_wait3A_460 = tpu.memref_slice %arg5[%mul3A_336] : memref<13312xi32, #tpu.memory_space<vmem>> -> memref<104xi32, #tpu.memory_space<vmem>>
      %dma_wait3A_461 = arith.constant 0 : i32
      %dma_wait3A_462 = arith.constant 0 : i32
      %dma_wait3A_463 = tpu.memref_slice %arg3[%dma_wait3A_461, %dma_wait3A_462] : memref<3328x128xf32, #tpu.memory_space<hbm>> -> memref<3328x128xf32, #tpu.memory_space<hbm>>
      tpu.wait_indirect_dma semaphore(%arg21 : memref<!tpu.dma_semaphore, #tpu.memory_space<semaphore_mem>>) src(%dma_wait3A_463 : memref<3328x128xf32, #tpu.memory_space<hbm>>) dst(%arg13 : memref<104x128xf32, #tpu.memory_space<vmem>>)
      %mul3A_464 = arith.constant 8 : i32
      %mul3A_465 = arith.muli %scan3A_212, %mul3A_464 : i32
      %add3A_466 = arith.constant 7 : i32
      %add3A_467 = arith.addi %mul3A_465, %add3A_466 : i32
      %mul3A_468 = arith.constant 4 : i32
      %mul3A_469 = arith.muli %add3A_467, %mul3A_468 : i32
      %add3A_470 = arith.addi %mul3A_4, %mul3A_469 : i32
      %dma_start3A_471 = tpu.memref_reshape %arg13 : memref<104x128xf32, #tpu.memory_space<vmem>> -> memref<4x3328xf32, #tpu.memory_space<vmem>>
      %dma_start3A_472 = arith.constant 0 : i32
      %dma_start3A_473 = tpu.memref_slice %arg4[%add3A_470, %dma_start3A_472] : memref<16384x3328xf32, #tpu.memory_space<hbm>> -> memref<4x3328xf32, #tpu.memory_space<hbm>>
      %dma_start3A_474 = arith.constant 0 : i32
      %dma_start3A_475 = tpu.memref_slice %arg4[%add3A_470, %dma_start3A_474] : memref<16384x3328xf32, #tpu.memory_space<hbm>> -> memref<4x3328xf32, #tpu.memory_space<hbm>>
      %dma_start3A_476 = tpu.memref_reshape %arg13 : memref<104x128xf32, #tpu.memory_space<vmem>> -> memref<4x3328xf32, #tpu.memory_space<vmem>>
      tpu.enqueue_dma source(%dma_start3A_476 : memref<4x3328xf32, #tpu.memory_space<vmem>>) target(%dma_start3A_475 : memref<4x3328xf32, #tpu.memory_space<hbm>>) target_semaphore(%arg29 : memref<!tpu.dma_semaphore, #tpu.memory_space<semaphore_mem>>)
    }
    %scan3A_163 = arith.constant 15 : i32
    %dma_wait3A_164 = tpu.memref_reshape %arg6 : memref<104x128xf32, #tpu.memory_space<vmem>> -> memref<4x3328xf32, #tpu.memory_space<vmem>>
    %dma_wait3A_165 = arith.constant 0 : i32
    %dma_wait3A_166 = tpu.memref_slice %arg4[%mul3A_4, %dma_wait3A_165] : memref<16384x3328xf32, #tpu.memory_space<hbm>> -> memref<4x3328xf32, #tpu.memory_space<hbm>>
    %dma_wait3A_167 = arith.constant 0 : i32
    %dma_wait3A_168 = tpu.memref_slice %arg4[%mul3A_4, %dma_wait3A_167] : memref<16384x3328xf32, #tpu.memory_space<hbm>> -> memref<4x3328xf32, #tpu.memory_space<hbm>>
    %dma_wait3A_169 = tpu.memref_reshape %arg6 : memref<104x128xf32, #tpu.memory_space<vmem>> -> memref<4x3328xf32, #tpu.memory_space<vmem>>
    tpu.wait_dma2 semaphore(%arg22 : memref<!tpu.dma_semaphore, #tpu.memory_space<semaphore_mem>>) src(%dma_wait3A_169 : memref<4x3328xf32, #tpu.memory_space<vmem>>) dst(%dma_wait3A_168 : memref<4x3328xf32, #tpu.memory_space<hbm>>)
    %dma_wait3A_170 = tpu.memref_reshape %arg7 : memref<104x128xf32, #tpu.memory_space<vmem>> -> memref<4x3328xf32, #tpu.memory_space<vmem>>
    %dma_wait3A_171 = arith.constant 0 : i32
    %dma_wait3A_172 = tpu.memref_slice %arg4[%mul3A_4, %dma_wait3A_171] : memref<16384x3328xf32, #tpu.memory_space<hbm>> -> memref<4x3328xf32, #tpu.memory_space<hbm>>
    %dma_wait3A_173 = arith.constant 0 : i32
    %dma_wait3A_174 = tpu.memref_slice %arg4[%mul3A_4, %dma_wait3A_173] : memref<16384x3328xf32, #tpu.memory_space<hbm>> -> memref<4x3328xf32, #tpu.memory_space<hbm>>
    %dma_wait3A_175 = tpu.memref_reshape %arg7 : memref<104x128xf32, #tpu.memory_space<vmem>> -> memref<4x3328xf32, #tpu.memory_space<vmem>>
    tpu.wait_dma2 semaphore(%arg23 : memref<!tpu.dma_semaphore, #tpu.memory_space<semaphore_mem>>) src(%dma_wait3A_175 : memref<4x3328xf32, #tpu.memory_space<vmem>>) dst(%dma_wait3A_174 : memref<4x3328xf32, #tpu.memory_space<hbm>>)
    %dma_wait3A_176 = tpu.memref_reshape %arg8 : memref<104x128xf32, #tpu.memory_space<vmem>> -> memref<4x3328xf32, #tpu.memory_space<vmem>>
    %dma_wait3A_177 = arith.constant 0 : i32
    %dma_wait3A_178 = tpu.memref_slice %arg4[%mul3A_4, %dma_wait3A_177] : memref<16384x3328xf32, #tpu.memory_space<hbm>> -> memref<4x3328xf32, #tpu.memory_space<hbm>>
    %dma_wait3A_179 = arith.constant 0 : i32
    %dma_wait3A_180 = tpu.memref_slice %arg4[%mul3A_4, %dma_wait3A_179] : memref<16384x3328xf32, #tpu.memory_space<hbm>> -> memref<4x3328xf32, #tpu.memory_space<hbm>>
    %dma_wait3A_181 = tpu.memref_reshape %arg8 : memref<104x128xf32, #tpu.memory_space<vmem>> -> memref<4x3328xf32, #tpu.memory_space<vmem>>
    tpu.wait_dma2 semaphore(%arg24 : memref<!tpu.dma_semaphore, #tpu.memory_space<semaphore_mem>>) src(%dma_wait3A_181 : memref<4x3328xf32, #tpu.memory_space<vmem>>) dst(%dma_wait3A_180 : memref<4x3328xf32, #tpu.memory_space<hbm>>)
    %dma_wait3A_182 = tpu.memref_reshape %arg9 : memref<104x128xf32, #tpu.memory_space<vmem>> -> memref<4x3328xf32, #tpu.memory_space<vmem>>
    %dma_wait3A_183 = arith.constant 0 : i32
    %dma_wait3A_184 = tpu.memref_slice %arg4[%mul3A_4, %dma_wait3A_183] : memref<16384x3328xf32, #tpu.memory_space<hbm>> -> memref<4x3328xf32, #tpu.memory_space<hbm>>
    %dma_wait3A_185 = arith.constant 0 : i32
    %dma_wait3A_186 = tpu.memref_slice %arg4[%mul3A_4, %dma_wait3A_185] : memref<16384x3328xf32, #tpu.memory_space<hbm>> -> memref<4x3328xf32, #tpu.memory_space<hbm>>
    %dma_wait3A_187 = tpu.memref_reshape %arg9 : memref<104x128xf32, #tpu.memory_space<vmem>> -> memref<4x3328xf32, #tpu.memory_space<vmem>>
    tpu.wait_dma2 semaphore(%arg25 : memref<!tpu.dma_semaphore, #tpu.memory_space<semaphore_mem>>) src(%dma_wait3A_187 : memref<4x3328xf32, #tpu.memory_space<vmem>>) dst(%dma_wait3A_186 : memref<4x3328xf32, #tpu.memory_space<hbm>>)
    %dma_wait3A_188 = tpu.memref_reshape %arg10 : memref<104x128xf32, #tpu.memory_space<vmem>> -> memref<4x3328xf32, #tpu.memory_space<vmem>>
    %dma_wait3A_189 = arith.constant 0 : i32
    %dma_wait3A_190 = tpu.memref_slice %arg4[%mul3A_4, %dma_wait3A_189] : memref<16384x3328xf32, #tpu.memory_space<hbm>> -> memref<4x3328xf32, #tpu.memory_space<hbm>>
    %dma_wait3A_191 = arith.constant 0 : i32
    %dma_wait3A_192 = tpu.memref_slice %arg4[%mul3A_4, %dma_wait3A_191] : memref<16384x3328xf32, #tpu.memory_space<hbm>> -> memref<4x3328xf32, #tpu.memory_space<hbm>>
    %dma_wait3A_193 = tpu.memref_reshape %arg10 : memref<104x128xf32, #tpu.memory_space<vmem>> -> memref<4x3328xf32, #tpu.memory_space<vmem>>
    tpu.wait_dma2 semaphore(%arg26 : memref<!tpu.dma_semaphore, #tpu.memory_space<semaphore_mem>>) src(%dma_wait3A_193 : memref<4x3328xf32, #tpu.memory_space<vmem>>) dst(%dma_wait3A_192 : memref<4x3328xf32, #tpu.memory_space<hbm>>)
    %dma_wait3A_194 = tpu.memref_reshape %arg11 : memref<104x128xf32, #tpu.memory_space<vmem>> -> memref<4x3328xf32, #tpu.memory_space<vmem>>
    %dma_wait3A_195 = arith.constant 0 : i32
    %dma_wait3A_196 = tpu.memref_slice %arg4[%mul3A_4, %dma_wait3A_195] : memref<16384x3328xf32, #tpu.memory_space<hbm>> -> memref<4x3328xf32, #tpu.memory_space<hbm>>
    %dma_wait3A_197 = arith.constant 0 : i32
    %dma_wait3A_198 = tpu.memref_slice %arg4[%mul3A_4, %dma_wait3A_197] : memref<16384x3328xf32, #tpu.memory_space<hbm>> -> memref<4x3328xf32, #tpu.memory_space<hbm>>
    %dma_wait3A_199 = tpu.memref_reshape %arg11 : memref<104x128xf32, #tpu.memory_space<vmem>> -> memref<4x3328xf32, #tpu.memory_space<vmem>>
    tpu.wait_dma2 semaphore(%arg27 : memref<!tpu.dma_semaphore, #tpu.memory_space<semaphore_mem>>) src(%dma_wait3A_199 : memref<4x3328xf32, #tpu.memory_space<vmem>>) dst(%dma_wait3A_198 : memref<4x3328xf32, #tpu.memory_space<hbm>>)
    %dma_wait3A_200 = tpu.memref_reshape %arg12 : memref<104x128xf32, #tpu.memory_space<vmem>> -> memref<4x3328xf32, #tpu.memory_space<vmem>>
    %dma_wait3A_201 = arith.constant 0 : i32
    %dma_wait3A_202 = tpu.memref_slice %arg4[%mul3A_4, %dma_wait3A_201] : memref<16384x3328xf32, #tpu.memory_space<hbm>> -> memref<4x3328xf32, #tpu.memory_space<hbm>>
    %dma_wait3A_203 = arith.constant 0 : i32
    %dma_wait3A_204 = tpu.memref_slice %arg4[%mul3A_4, %dma_wait3A_203] : memref<16384x3328xf32, #tpu.memory_space<hbm>> -> memref<4x3328xf32, #tpu.memory_space<hbm>>
    %dma_wait3A_205 = tpu.memref_reshape %arg12 : memref<104x128xf32, #tpu.memory_space<vmem>> -> memref<4x3328xf32, #tpu.memory_space<vmem>>
    tpu.wait_dma2 semaphore(%arg28 : memref<!tpu.dma_semaphore, #tpu.memory_space<semaphore_mem>>) src(%dma_wait3A_205 : memref<4x3328xf32, #tpu.memory_space<vmem>>) dst(%dma_wait3A_204 : memref<4x3328xf32, #tpu.memory_space<hbm>>)
    %dma_wait3A_206 = tpu.memref_reshape %arg13 : memref<104x128xf32, #tpu.memory_space<vmem>> -> memref<4x3328xf32, #tpu.memory_space<vmem>>
    %dma_wait3A_207 = arith.constant 0 : i32
    %dma_wait3A_208 = tpu.memref_slice %arg4[%mul3A_4, %dma_wait3A_207] : memref<16384x3328xf32, #tpu.memory_space<hbm>> -> memref<4x3328xf32, #tpu.memory_space<hbm>>
    %dma_wait3A_209 = arith.constant 0 : i32
    %dma_wait3A_210 = tpu.memref_slice %arg4[%mul3A_4, %dma_wait3A_209] : memref<16384x3328xf32, #tpu.memory_space<hbm>> -> memref<4x3328xf32, #tpu.memory_space<hbm>>
    %dma_wait3A_211 = tpu.memref_reshape %arg13 : memref<104x128xf32, #tpu.memory_space<vmem>> -> memref<4x3328xf32, #tpu.memory_space<vmem>>
    tpu.wait_dma2 semaphore(%arg29 : memref<!tpu.dma_semaphore, #tpu.memory_space<semaphore_mem>>) src(%dma_wait3A_211 : memref<4x3328xf32, #tpu.memory_space<vmem>>) dst(%dma_wait3A_210 : memref<4x3328xf32, #tpu.memory_space<hbm>>)
    return
  }
}

module attributes {stable_mosaic.version = 14 : i64} {
  func.func @_scale_body(%arg0: memref<128x128xf32, #tpu.memory_space<vmem>>, %arg1: memref<128x128xf32, #tpu.memory_space<vmem>>, %arg2: memref<128x128xf32, #tpu.memory_space<vmem>>, %arg3: memref<128x128xf32, #tpu.memory_space<vmem>>, %arg4: memref<128x128xf32, #tpu.memory_space<vmem>>, %arg5: memref<128x128xf32, #tpu.memory_space<vmem>>, %arg6: memref<128x128xf32, #tpu.memory_space<vmem>>, %arg7: memref<128x128xf32, #tpu.memory_space<vmem>>, %arg8: memref<128x128xf32, #tpu.memory_space<vmem>>, %arg9: memref<128x128xf32, #tpu.memory_space<vmem>>, %arg10: memref<128x128xf32, #tpu.memory_space<vmem>>, %arg11: memref<128x128xf32, #tpu.memory_space<vmem>>, %arg12: memref<128x128xf32, #tpu.memory_space<vmem>>, %arg13: memref<128x128xf32, #tpu.memory_space<vmem>>, %arg14: memref<128x128xf32, #tpu.memory_space<vmem>>, %arg15: memref<128x128xf32, #tpu.memory_space<vmem>>, %arg16: memref<128x128xf32, #tpu.memory_space<vmem>>, %arg17: memref<128x128xf32, #tpu.memory_space<vmem>>, %arg18: memref<128x128xf32, #tpu.memory_space<vmem>>, %arg19: memref<128x128xf32, #tpu.memory_space<vmem>>, %arg20: memref<128x128xf32, #tpu.memory_space<vmem>>, %arg21: memref<128x128xf32, #tpu.memory_space<vmem>>, %arg22: memref<128x128xf32, #tpu.memory_space<vmem>>, %arg23: memref<128x128xf32, #tpu.memory_space<vmem>>, %arg24: memref<128x128xf32, #tpu.memory_space<vmem>>, %arg25: memref<128x128xf32, #tpu.memory_space<vmem>>, %arg26: memref<3328x128xf32, #tpu.memory_space<vmem>>) attributes {dimension_semantics = [], scalar_prefetch = 0 : i64, scratch_operands = 0 : i64, tpu.core_type = #tpu.core_type<tc>} {
    %get3A = arith.constant 0 : index
    %get3A_0 = arith.constant 0 : index
    %get3A_1 = vector.load %arg0[%get3A, %get3A_0] : memref<128x128xf32, #tpu.memory_space<vmem>>, vector<128x128xf32>
    %mul3A = arith.mulf %get3A_1, %get3A_1 : vector<128x128xf32>
    %reduce_sum3A = arith.constant dense<0.000000e+00> : vector<128xf32>
    %reduce_sum3A_2 = vector.multi_reduction <add>, %mul3A, %reduce_sum3A [1] : vector<128x128xf32> to vector<128xf32>
    %broadcast_in_dim3A = vector.shape_cast %reduce_sum3A_2 : vector<128xf32> to vector<128x1xf32>
    %sqrt3A = math.sqrt %broadcast_in_dim3A : vector<128x1xf32>
    %max3A = arith.constant 1.000000e-07 : f32
    %max3A_3 = vector.broadcast %max3A : f32 to vector<128x1xf32>
    %max3A_4 = arith.maximumf %sqrt3A, %max3A_3 : vector<128x1xf32>
    %div3A = arith.constant 1.000000e+00 : f32
    %div3A_5 = vector.broadcast %div3A : f32 to vector<128x1xf32>
    %div3A_6 = arith.divf %div3A_5, %max3A_4 : vector<128x1xf32>
    %min3A = arith.constant 1.000000e+00 : f32
    %min3A_7 = vector.broadcast %min3A : f32 to vector<128x1xf32>
    %min3A_8 = arith.minimumf %min3A_7, %div3A_6 : vector<128x1xf32>
    %mul3A_9 = vector.broadcast %min3A_8 : vector<128x1xf32> to vector<128x128xf32>
    %mul3A_10 = arith.mulf %get3A_1, %mul3A_9 : vector<128x128xf32>
    %swap3A = arith.constant 0 : index
    %swap3A_11 = arith.constant 0 : index
    %swap3A_12 = vector.load %arg26[%swap3A, %swap3A_11] : memref<3328x128xf32, #tpu.memory_space<vmem>>, vector<128x128xf32>
    tpu.vector_store %arg26[%swap3A, %swap3A_11], %mul3A_10 {strides = array<i32>} : memref<3328x128xf32, #tpu.memory_space<vmem>>, vector<128x128xf32>,
    %get3A_13 = arith.constant 0 : index
    %get3A_14 = arith.constant 0 : index
    %get3A_15 = vector.load %arg1[%get3A_13, %get3A_14] : memref<128x128xf32, #tpu.memory_space<vmem>>, vector<128x128xf32>
    %mul3A_16 = arith.mulf %get3A_15, %get3A_15 : vector<128x128xf32>
    %reduce_sum3A_17 = arith.constant dense<0.000000e+00> : vector<128xf32>
    %reduce_sum3A_18 = vector.multi_reduction <add>, %mul3A_16, %reduce_sum3A_17 [1] : vector<128x128xf32> to vector<128xf32>
    %broadcast_in_dim3A_19 = vector.shape_cast %reduce_sum3A_18 : vector<128xf32> to vector<128x1xf32>
    %sqrt3A_20 = math.sqrt %broadcast_in_dim3A_19 : vector<128x1xf32>
    %max3A_21 = arith.constant 1.000000e-07 : f32
    %max3A_22 = vector.broadcast %max3A_21 : f32 to vector<128x1xf32>
    %max3A_23 = arith.maximumf %sqrt3A_20, %max3A_22 : vector<128x1xf32>
    %div3A_24 = arith.constant 1.000000e+00 : f32
    %div3A_25 = vector.broadcast %div3A_24 : f32 to vector<128x1xf32>
    %div3A_26 = arith.divf %div3A_25, %max3A_23 : vector<128x1xf32>
    %min3A_27 = arith.constant 1.000000e+00 : f32
    %min3A_28 = vector.broadcast %min3A_27 : f32 to vector<128x1xf32>
    %min3A_29 = arith.minimumf %min3A_28, %div3A_26 : vector<128x1xf32>
    %mul3A_30 = vector.broadcast %min3A_29 : vector<128x1xf32> to vector<128x128xf32>
    %mul3A_31 = arith.mulf %get3A_15, %mul3A_30 : vector<128x128xf32>
    %swap3A_32 = arith.constant 128 : index
    %swap3A_33 = arith.constant 0 : index
    %swap3A_34 = vector.load %arg26[%swap3A_32, %swap3A_33] : memref<3328x128xf32, #tpu.memory_space<vmem>>, vector<128x128xf32>
    tpu.vector_store %arg26[%swap3A_32, %swap3A_33], %mul3A_31 {strides = array<i32>} : memref<3328x128xf32, #tpu.memory_space<vmem>>, vector<128x128xf32>,
    %get3A_35 = arith.constant 0 : index
    %get3A_36 = arith.constant 0 : index
    %get3A_37 = vector.load %arg2[%get3A_35, %get3A_36] : memref<128x128xf32, #tpu.memory_space<vmem>>, vector<128x128xf32>
    %mul3A_38 = arith.mulf %get3A_37, %get3A_37 : vector<128x128xf32>
    %reduce_sum3A_39 = arith.constant dense<0.000000e+00> : vector<128xf32>
    %reduce_sum3A_40 = vector.multi_reduction <add>, %mul3A_38, %reduce_sum3A_39 [1] : vector<128x128xf32> to vector<128xf32>
    %broadcast_in_dim3A_41 = vector.shape_cast %reduce_sum3A_40 : vector<128xf32> to vector<128x1xf32>
    %sqrt3A_42 = math.sqrt %broadcast_in_dim3A_41 : vector<128x1xf32>
    %max3A_43 = arith.constant 1.000000e-07 : f32
    %max3A_44 = vector.broadcast %max3A_43 : f32 to vector<128x1xf32>
    %max3A_45 = arith.maximumf %sqrt3A_42, %max3A_44 : vector<128x1xf32>
    %div3A_46 = arith.constant 1.000000e+00 : f32
    %div3A_47 = vector.broadcast %div3A_46 : f32 to vector<128x1xf32>
    %div3A_48 = arith.divf %div3A_47, %max3A_45 : vector<128x1xf32>
    %min3A_49 = arith.constant 1.000000e+00 : f32
    %min3A_50 = vector.broadcast %min3A_49 : f32 to vector<128x1xf32>
    %min3A_51 = arith.minimumf %min3A_50, %div3A_48 : vector<128x1xf32>
    %mul3A_52 = vector.broadcast %min3A_51 : vector<128x1xf32> to vector<128x128xf32>
    %mul3A_53 = arith.mulf %get3A_37, %mul3A_52 : vector<128x128xf32>
    %swap3A_54 = arith.constant 256 : index
    %swap3A_55 = arith.constant 0 : index
    %swap3A_56 = vector.load %arg26[%swap3A_54, %swap3A_55] : memref<3328x128xf32, #tpu.memory_space<vmem>>, vector<128x128xf32>
    tpu.vector_store %arg26[%swap3A_54, %swap3A_55], %mul3A_53 {strides = array<i32>} : memref<3328x128xf32, #tpu.memory_space<vmem>>, vector<128x128xf32>,
    %get3A_57 = arith.constant 0 : index
    %get3A_58 = arith.constant 0 : index
    %get3A_59 = vector.load %arg3[%get3A_57, %get3A_58] : memref<128x128xf32, #tpu.memory_space<vmem>>, vector<128x128xf32>
    %mul3A_60 = arith.mulf %get3A_59, %get3A_59 : vector<128x128xf32>
    %reduce_sum3A_61 = arith.constant dense<0.000000e+00> : vector<128xf32>
    %reduce_sum3A_62 = vector.multi_reduction <add>, %mul3A_60, %reduce_sum3A_61 [1] : vector<128x128xf32> to vector<128xf32>
    %broadcast_in_dim3A_63 = vector.shape_cast %reduce_sum3A_62 : vector<128xf32> to vector<128x1xf32>
    %sqrt3A_64 = math.sqrt %broadcast_in_dim3A_63 : vector<128x1xf32>
    %max3A_65 = arith.constant 1.000000e-07 : f32
    %max3A_66 = vector.broadcast %max3A_65 : f32 to vector<128x1xf32>
    %max3A_67 = arith.maximumf %sqrt3A_64, %max3A_66 : vector<128x1xf32>
    %div3A_68 = arith.constant 1.000000e+00 : f32
    %div3A_69 = vector.broadcast %div3A_68 : f32 to vector<128x1xf32>
    %div3A_70 = arith.divf %div3A_69, %max3A_67 : vector<128x1xf32>
    %min3A_71 = arith.constant 1.000000e+00 : f32
    %min3A_72 = vector.broadcast %min3A_71 : f32 to vector<128x1xf32>
    %min3A_73 = arith.minimumf %min3A_72, %div3A_70 : vector<128x1xf32>
    %mul3A_74 = vector.broadcast %min3A_73 : vector<128x1xf32> to vector<128x128xf32>
    %mul3A_75 = arith.mulf %get3A_59, %mul3A_74 : vector<128x128xf32>
    %swap3A_76 = arith.constant 384 : index
    %swap3A_77 = arith.constant 0 : index
    %swap3A_78 = vector.load %arg26[%swap3A_76, %swap3A_77] : memref<3328x128xf32, #tpu.memory_space<vmem>>, vector<128x128xf32>
    tpu.vector_store %arg26[%swap3A_76, %swap3A_77], %mul3A_75 {strides = array<i32>} : memref<3328x128xf32, #tpu.memory_space<vmem>>, vector<128x128xf32>,
    %get3A_79 = arith.constant 0 : index
    %get3A_80 = arith.constant 0 : index
    %get3A_81 = vector.load %arg4[%get3A_79, %get3A_80] : memref<128x128xf32, #tpu.memory_space<vmem>>, vector<128x128xf32>
    %mul3A_82 = arith.mulf %get3A_81, %get3A_81 : vector<128x128xf32>
    %reduce_sum3A_83 = arith.constant dense<0.000000e+00> : vector<128xf32>
    %reduce_sum3A_84 = vector.multi_reduction <add>, %mul3A_82, %reduce_sum3A_83 [1] : vector<128x128xf32> to vector<128xf32>
    %broadcast_in_dim3A_85 = vector.shape_cast %reduce_sum3A_84 : vector<128xf32> to vector<128x1xf32>
    %sqrt3A_86 = math.sqrt %broadcast_in_dim3A_85 : vector<128x1xf32>
    %max3A_87 = arith.constant 1.000000e-07 : f32
    %max3A_88 = vector.broadcast %max3A_87 : f32 to vector<128x1xf32>
    %max3A_89 = arith.maximumf %sqrt3A_86, %max3A_88 : vector<128x1xf32>
    %div3A_90 = arith.constant 1.000000e+00 : f32
    %div3A_91 = vector.broadcast %div3A_90 : f32 to vector<128x1xf32>
    %div3A_92 = arith.divf %div3A_91, %max3A_89 : vector<128x1xf32>
    %min3A_93 = arith.constant 1.000000e+00 : f32
    %min3A_94 = vector.broadcast %min3A_93 : f32 to vector<128x1xf32>
    %min3A_95 = arith.minimumf %min3A_94, %div3A_92 : vector<128x1xf32>
    %mul3A_96 = vector.broadcast %min3A_95 : vector<128x1xf32> to vector<128x128xf32>
    %mul3A_97 = arith.mulf %get3A_81, %mul3A_96 : vector<128x128xf32>
    %swap3A_98 = arith.constant 512 : index
    %swap3A_99 = arith.constant 0 : index
    %swap3A_100 = vector.load %arg26[%swap3A_98, %swap3A_99] : memref<3328x128xf32, #tpu.memory_space<vmem>>, vector<128x128xf32>
    tpu.vector_store %arg26[%swap3A_98, %swap3A_99], %mul3A_97 {strides = array<i32>} : memref<3328x128xf32, #tpu.memory_space<vmem>>, vector<128x128xf32>,
    %get3A_101 = arith.constant 0 : index
    %get3A_102 = arith.constant 0 : index
    %get3A_103 = vector.load %arg5[%get3A_101, %get3A_102] : memref<128x128xf32, #tpu.memory_space<vmem>>, vector<128x128xf32>
    %mul3A_104 = arith.mulf %get3A_103, %get3A_103 : vector<128x128xf32>
    %reduce_sum3A_105 = arith.constant dense<0.000000e+00> : vector<128xf32>
    %reduce_sum3A_106 = vector.multi_reduction <add>, %mul3A_104, %reduce_sum3A_105 [1] : vector<128x128xf32> to vector<128xf32>
    %broadcast_in_dim3A_107 = vector.shape_cast %reduce_sum3A_106 : vector<128xf32> to vector<128x1xf32>
    %sqrt3A_108 = math.sqrt %broadcast_in_dim3A_107 : vector<128x1xf32>
    %max3A_109 = arith.constant 1.000000e-07 : f32
    %max3A_110 = vector.broadcast %max3A_109 : f32 to vector<128x1xf32>
    %max3A_111 = arith.maximumf %sqrt3A_108, %max3A_110 : vector<128x1xf32>
    %div3A_112 = arith.constant 1.000000e+00 : f32
    %div3A_113 = vector.broadcast %div3A_112 : f32 to vector<128x1xf32>
    %div3A_114 = arith.divf %div3A_113, %max3A_111 : vector<128x1xf32>
    %min3A_115 = arith.constant 1.000000e+00 : f32
    %min3A_116 = vector.broadcast %min3A_115 : f32 to vector<128x1xf32>
    %min3A_117 = arith.minimumf %min3A_116, %div3A_114 : vector<128x1xf32>
    %mul3A_118 = vector.broadcast %min3A_117 : vector<128x1xf32> to vector<128x128xf32>
    %mul3A_119 = arith.mulf %get3A_103, %mul3A_118 : vector<128x128xf32>
    %swap3A_120 = arith.constant 640 : index
    %swap3A_121 = arith.constant 0 : index
    %swap3A_122 = vector.load %arg26[%swap3A_120, %swap3A_121] : memref<3328x128xf32, #tpu.memory_space<vmem>>, vector<128x128xf32>
    tpu.vector_store %arg26[%swap3A_120, %swap3A_121], %mul3A_119 {strides = array<i32>} : memref<3328x128xf32, #tpu.memory_space<vmem>>, vector<128x128xf32>,
    %get3A_123 = arith.constant 0 : index
    %get3A_124 = arith.constant 0 : index
    %get3A_125 = vector.load %arg6[%get3A_123, %get3A_124] : memref<128x128xf32, #tpu.memory_space<vmem>>, vector<128x128xf32>
    %mul3A_126 = arith.mulf %get3A_125, %get3A_125 : vector<128x128xf32>
    %reduce_sum3A_127 = arith.constant dense<0.000000e+00> : vector<128xf32>
    %reduce_sum3A_128 = vector.multi_reduction <add>, %mul3A_126, %reduce_sum3A_127 [1] : vector<128x128xf32> to vector<128xf32>
    %broadcast_in_dim3A_129 = vector.shape_cast %reduce_sum3A_128 : vector<128xf32> to vector<128x1xf32>
    %sqrt3A_130 = math.sqrt %broadcast_in_dim3A_129 : vector<128x1xf32>
    %max3A_131 = arith.constant 1.000000e-07 : f32
    %max3A_132 = vector.broadcast %max3A_131 : f32 to vector<128x1xf32>
    %max3A_133 = arith.maximumf %sqrt3A_130, %max3A_132 : vector<128x1xf32>
    %div3A_134 = arith.constant 1.000000e+00 : f32
    %div3A_135 = vector.broadcast %div3A_134 : f32 to vector<128x1xf32>
    %div3A_136 = arith.divf %div3A_135, %max3A_133 : vector<128x1xf32>
    %min3A_137 = arith.constant 1.000000e+00 : f32
    %min3A_138 = vector.broadcast %min3A_137 : f32 to vector<128x1xf32>
    %min3A_139 = arith.minimumf %min3A_138, %div3A_136 : vector<128x1xf32>
    %mul3A_140 = vector.broadcast %min3A_139 : vector<128x1xf32> to vector<128x128xf32>
    %mul3A_141 = arith.mulf %get3A_125, %mul3A_140 : vector<128x128xf32>
    %swap3A_142 = arith.constant 768 : index
    %swap3A_143 = arith.constant 0 : index
    %swap3A_144 = vector.load %arg26[%swap3A_142, %swap3A_143] : memref<3328x128xf32, #tpu.memory_space<vmem>>, vector<128x128xf32>
    tpu.vector_store %arg26[%swap3A_142, %swap3A_143], %mul3A_141 {strides = array<i32>} : memref<3328x128xf32, #tpu.memory_space<vmem>>, vector<128x128xf32>,
    %get3A_145 = arith.constant 0 : index
    %get3A_146 = arith.constant 0 : index
    %get3A_147 = vector.load %arg7[%get3A_145, %get3A_146] : memref<128x128xf32, #tpu.memory_space<vmem>>, vector<128x128xf32>
    %mul3A_148 = arith.mulf %get3A_147, %get3A_147 : vector<128x128xf32>
    %reduce_sum3A_149 = arith.constant dense<0.000000e+00> : vector<128xf32>
    %reduce_sum3A_150 = vector.multi_reduction <add>, %mul3A_148, %reduce_sum3A_149 [1] : vector<128x128xf32> to vector<128xf32>
    %broadcast_in_dim3A_151 = vector.shape_cast %reduce_sum3A_150 : vector<128xf32> to vector<128x1xf32>
    %sqrt3A_152 = math.sqrt %broadcast_in_dim3A_151 : vector<128x1xf32>
    %max3A_153 = arith.constant 1.000000e-07 : f32
    %max3A_154 = vector.broadcast %max3A_153 : f32 to vector<128x1xf32>
    %max3A_155 = arith.maximumf %sqrt3A_152, %max3A_154 : vector<128x1xf32>
    %div3A_156 = arith.constant 1.000000e+00 : f32
    %div3A_157 = vector.broadcast %div3A_156 : f32 to vector<128x1xf32>
    %div3A_158 = arith.divf %div3A_157, %max3A_155 : vector<128x1xf32>
    %min3A_159 = arith.constant 1.000000e+00 : f32
    %min3A_160 = vector.broadcast %min3A_159 : f32 to vector<128x1xf32>
    %min3A_161 = arith.minimumf %min3A_160, %div3A_158 : vector<128x1xf32>
    %mul3A_162 = vector.broadcast %min3A_161 : vector<128x1xf32> to vector<128x128xf32>
    %mul3A_163 = arith.mulf %get3A_147, %mul3A_162 : vector<128x128xf32>
    %swap3A_164 = arith.constant 896 : index
    %swap3A_165 = arith.constant 0 : index
    %swap3A_166 = vector.load %arg26[%swap3A_164, %swap3A_165] : memref<3328x128xf32, #tpu.memory_space<vmem>>, vector<128x128xf32>
    tpu.vector_store %arg26[%swap3A_164, %swap3A_165], %mul3A_163 {strides = array<i32>} : memref<3328x128xf32, #tpu.memory_space<vmem>>, vector<128x128xf32>,
    %get3A_167 = arith.constant 0 : index
    %get3A_168 = arith.constant 0 : index
    %get3A_169 = vector.load %arg8[%get3A_167, %get3A_168] : memref<128x128xf32, #tpu.memory_space<vmem>>, vector<128x128xf32>
    %mul3A_170 = arith.mulf %get3A_169, %get3A_169 : vector<128x128xf32>
    %reduce_sum3A_171 = arith.constant dense<0.000000e+00> : vector<128xf32>
    %reduce_sum3A_172 = vector.multi_reduction <add>, %mul3A_170, %reduce_sum3A_171 [1] : vector<128x128xf32> to vector<128xf32>
    %broadcast_in_dim3A_173 = vector.shape_cast %reduce_sum3A_172 : vector<128xf32> to vector<128x1xf32>
    %sqrt3A_174 = math.sqrt %broadcast_in_dim3A_173 : vector<128x1xf32>
    %max3A_175 = arith.constant 1.000000e-07 : f32
    %max3A_176 = vector.broadcast %max3A_175 : f32 to vector<128x1xf32>
    %max3A_177 = arith.maximumf %sqrt3A_174, %max3A_176 : vector<128x1xf32>
    %div3A_178 = arith.constant 1.000000e+00 : f32
    %div3A_179 = vector.broadcast %div3A_178 : f32 to vector<128x1xf32>
    %div3A_180 = arith.divf %div3A_179, %max3A_177 : vector<128x1xf32>
    %min3A_181 = arith.constant 1.000000e+00 : f32
    %min3A_182 = vector.broadcast %min3A_181 : f32 to vector<128x1xf32>
    %min3A_183 = arith.minimumf %min3A_182, %div3A_180 : vector<128x1xf32>
    %mul3A_184 = vector.broadcast %min3A_183 : vector<128x1xf32> to vector<128x128xf32>
    %mul3A_185 = arith.mulf %get3A_169, %mul3A_184 : vector<128x128xf32>
    %swap3A_186 = arith.constant 1024 : index
    %swap3A_187 = arith.constant 0 : index
    %swap3A_188 = vector.load %arg26[%swap3A_186, %swap3A_187] : memref<3328x128xf32, #tpu.memory_space<vmem>>, vector<128x128xf32>
    tpu.vector_store %arg26[%swap3A_186, %swap3A_187], %mul3A_185 {strides = array<i32>} : memref<3328x128xf32, #tpu.memory_space<vmem>>, vector<128x128xf32>,
    %get3A_189 = arith.constant 0 : index
    %get3A_190 = arith.constant 0 : index
    %get3A_191 = vector.load %arg9[%get3A_189, %get3A_190] : memref<128x128xf32, #tpu.memory_space<vmem>>, vector<128x128xf32>
    %mul3A_192 = arith.mulf %get3A_191, %get3A_191 : vector<128x128xf32>
    %reduce_sum3A_193 = arith.constant dense<0.000000e+00> : vector<128xf32>
    %reduce_sum3A_194 = vector.multi_reduction <add>, %mul3A_192, %reduce_sum3A_193 [1] : vector<128x128xf32> to vector<128xf32>
    %broadcast_in_dim3A_195 = vector.shape_cast %reduce_sum3A_194 : vector<128xf32> to vector<128x1xf32>
    %sqrt3A_196 = math.sqrt %broadcast_in_dim3A_195 : vector<128x1xf32>
    %max3A_197 = arith.constant 1.000000e-07 : f32
    %max3A_198 = vector.broadcast %max3A_197 : f32 to vector<128x1xf32>
    %max3A_199 = arith.maximumf %sqrt3A_196, %max3A_198 : vector<128x1xf32>
    %div3A_200 = arith.constant 1.000000e+00 : f32
    %div3A_201 = vector.broadcast %div3A_200 : f32 to vector<128x1xf32>
    %div3A_202 = arith.divf %div3A_201, %max3A_199 : vector<128x1xf32>
    %min3A_203 = arith.constant 1.000000e+00 : f32
    %min3A_204 = vector.broadcast %min3A_203 : f32 to vector<128x1xf32>
    %min3A_205 = arith.minimumf %min3A_204, %div3A_202 : vector<128x1xf32>
    %mul3A_206 = vector.broadcast %min3A_205 : vector<128x1xf32> to vector<128x128xf32>
    %mul3A_207 = arith.mulf %get3A_191, %mul3A_206 : vector<128x128xf32>
    %swap3A_208 = arith.constant 1152 : index
    %swap3A_209 = arith.constant 0 : index
    %swap3A_210 = vector.load %arg26[%swap3A_208, %swap3A_209] : memref<3328x128xf32, #tpu.memory_space<vmem>>, vector<128x128xf32>
    tpu.vector_store %arg26[%swap3A_208, %swap3A_209], %mul3A_207 {strides = array<i32>} : memref<3328x128xf32, #tpu.memory_space<vmem>>, vector<128x128xf32>,
    %get3A_211 = arith.constant 0 : index
    %get3A_212 = arith.constant 0 : index
    %get3A_213 = vector.load %arg10[%get3A_211, %get3A_212] : memref<128x128xf32, #tpu.memory_space<vmem>>, vector<128x128xf32>
    %mul3A_214 = arith.mulf %get3A_213, %get3A_213 : vector<128x128xf32>
    %reduce_sum3A_215 = arith.constant dense<0.000000e+00> : vector<128xf32>
    %reduce_sum3A_216 = vector.multi_reduction <add>, %mul3A_214, %reduce_sum3A_215 [1] : vector<128x128xf32> to vector<128xf32>
    %broadcast_in_dim3A_217 = vector.shape_cast %reduce_sum3A_216 : vector<128xf32> to vector<128x1xf32>
    %sqrt3A_218 = math.sqrt %broadcast_in_dim3A_217 : vector<128x1xf32>
    %max3A_219 = arith.constant 1.000000e-07 : f32
    %max3A_220 = vector.broadcast %max3A_219 : f32 to vector<128x1xf32>
    %max3A_221 = arith.maximumf %sqrt3A_218, %max3A_220 : vector<128x1xf32>
    %div3A_222 = arith.constant 1.000000e+00 : f32
    %div3A_223 = vector.broadcast %div3A_222 : f32 to vector<128x1xf32>
    %div3A_224 = arith.divf %div3A_223, %max3A_221 : vector<128x1xf32>
    %min3A_225 = arith.constant 1.000000e+00 : f32
    %min3A_226 = vector.broadcast %min3A_225 : f32 to vector<128x1xf32>
    %min3A_227 = arith.minimumf %min3A_226, %div3A_224 : vector<128x1xf32>
    %mul3A_228 = vector.broadcast %min3A_227 : vector<128x1xf32> to vector<128x128xf32>
    %mul3A_229 = arith.mulf %get3A_213, %mul3A_228 : vector<128x128xf32>
    %swap3A_230 = arith.constant 1280 : index
    %swap3A_231 = arith.constant 0 : index
    %swap3A_232 = vector.load %arg26[%swap3A_230, %swap3A_231] : memref<3328x128xf32, #tpu.memory_space<vmem>>, vector<128x128xf32>
    tpu.vector_store %arg26[%swap3A_230, %swap3A_231], %mul3A_229 {strides = array<i32>} : memref<3328x128xf32, #tpu.memory_space<vmem>>, vector<128x128xf32>,
    %get3A_233 = arith.constant 0 : index
    %get3A_234 = arith.constant 0 : index
    %get3A_235 = vector.load %arg11[%get3A_233, %get3A_234] : memref<128x128xf32, #tpu.memory_space<vmem>>, vector<128x128xf32>
    %mul3A_236 = arith.mulf %get3A_235, %get3A_235 : vector<128x128xf32>
    %reduce_sum3A_237 = arith.constant dense<0.000000e+00> : vector<128xf32>
    %reduce_sum3A_238 = vector.multi_reduction <add>, %mul3A_236, %reduce_sum3A_237 [1] : vector<128x128xf32> to vector<128xf32>
    %broadcast_in_dim3A_239 = vector.shape_cast %reduce_sum3A_238 : vector<128xf32> to vector<128x1xf32>
    %sqrt3A_240 = math.sqrt %broadcast_in_dim3A_239 : vector<128x1xf32>
    %max3A_241 = arith.constant 1.000000e-07 : f32
    %max3A_242 = vector.broadcast %max3A_241 : f32 to vector<128x1xf32>
    %max3A_243 = arith.maximumf %sqrt3A_240, %max3A_242 : vector<128x1xf32>
    %div3A_244 = arith.constant 1.000000e+00 : f32
    %div3A_245 = vector.broadcast %div3A_244 : f32 to vector<128x1xf32>
    %div3A_246 = arith.divf %div3A_245, %max3A_243 : vector<128x1xf32>
    %min3A_247 = arith.constant 1.000000e+00 : f32
    %min3A_248 = vector.broadcast %min3A_247 : f32 to vector<128x1xf32>
    %min3A_249 = arith.minimumf %min3A_248, %div3A_246 : vector<128x1xf32>
    %mul3A_250 = vector.broadcast %min3A_249 : vector<128x1xf32> to vector<128x128xf32>
    %mul3A_251 = arith.mulf %get3A_235, %mul3A_250 : vector<128x128xf32>
    %swap3A_252 = arith.constant 1408 : index
    %swap3A_253 = arith.constant 0 : index
    %swap3A_254 = vector.load %arg26[%swap3A_252, %swap3A_253] : memref<3328x128xf32, #tpu.memory_space<vmem>>, vector<128x128xf32>
    tpu.vector_store %arg26[%swap3A_252, %swap3A_253], %mul3A_251 {strides = array<i32>} : memref<3328x128xf32, #tpu.memory_space<vmem>>, vector<128x128xf32>,
    %get3A_255 = arith.constant 0 : index
    %get3A_256 = arith.constant 0 : index
    %get3A_257 = vector.load %arg12[%get3A_255, %get3A_256] : memref<128x128xf32, #tpu.memory_space<vmem>>, vector<128x128xf32>
    %mul3A_258 = arith.mulf %get3A_257, %get3A_257 : vector<128x128xf32>
    %reduce_sum3A_259 = arith.constant dense<0.000000e+00> : vector<128xf32>
    %reduce_sum3A_260 = vector.multi_reduction <add>, %mul3A_258, %reduce_sum3A_259 [1] : vector<128x128xf32> to vector<128xf32>
    %broadcast_in_dim3A_261 = vector.shape_cast %reduce_sum3A_260 : vector<128xf32> to vector<128x1xf32>
    %sqrt3A_262 = math.sqrt %broadcast_in_dim3A_261 : vector<128x1xf32>
    %max3A_263 = arith.constant 1.000000e-07 : f32
    %max3A_264 = vector.broadcast %max3A_263 : f32 to vector<128x1xf32>
    %max3A_265 = arith.maximumf %sqrt3A_262, %max3A_264 : vector<128x1xf32>
    %div3A_266 = arith.constant 1.000000e+00 : f32
    %div3A_267 = vector.broadcast %div3A_266 : f32 to vector<128x1xf32>
    %div3A_268 = arith.divf %div3A_267, %max3A_265 : vector<128x1xf32>
    %min3A_269 = arith.constant 1.000000e+00 : f32
    %min3A_270 = vector.broadcast %min3A_269 : f32 to vector<128x1xf32>
    %min3A_271 = arith.minimumf %min3A_270, %div3A_268 : vector<128x1xf32>
    %mul3A_272 = vector.broadcast %min3A_271 : vector<128x1xf32> to vector<128x128xf32>
    %mul3A_273 = arith.mulf %get3A_257, %mul3A_272 : vector<128x128xf32>
    %swap3A_274 = arith.constant 1536 : index
    %swap3A_275 = arith.constant 0 : index
    %swap3A_276 = vector.load %arg26[%swap3A_274, %swap3A_275] : memref<3328x128xf32, #tpu.memory_space<vmem>>, vector<128x128xf32>
    tpu.vector_store %arg26[%swap3A_274, %swap3A_275], %mul3A_273 {strides = array<i32>} : memref<3328x128xf32, #tpu.memory_space<vmem>>, vector<128x128xf32>,
    %get3A_277 = arith.constant 0 : index
    %get3A_278 = arith.constant 0 : index
    %get3A_279 = vector.load %arg13[%get3A_277, %get3A_278] : memref<128x128xf32, #tpu.memory_space<vmem>>, vector<128x128xf32>
    %mul3A_280 = arith.mulf %get3A_279, %get3A_279 : vector<128x128xf32>
    %reduce_sum3A_281 = arith.constant dense<0.000000e+00> : vector<128xf32>
    %reduce_sum3A_282 = vector.multi_reduction <add>, %mul3A_280, %reduce_sum3A_281 [1] : vector<128x128xf32> to vector<128xf32>
    %broadcast_in_dim3A_283 = vector.shape_cast %reduce_sum3A_282 : vector<128xf32> to vector<128x1xf32>
    %sqrt3A_284 = math.sqrt %broadcast_in_dim3A_283 : vector<128x1xf32>
    %max3A_285 = arith.constant 1.000000e-07 : f32
    %max3A_286 = vector.broadcast %max3A_285 : f32 to vector<128x1xf32>
    %max3A_287 = arith.maximumf %sqrt3A_284, %max3A_286 : vector<128x1xf32>
    %div3A_288 = arith.constant 1.000000e+00 : f32
    %div3A_289 = vector.broadcast %div3A_288 : f32 to vector<128x1xf32>
    %div3A_290 = arith.divf %div3A_289, %max3A_287 : vector<128x1xf32>
    %min3A_291 = arith.constant 1.000000e+00 : f32
    %min3A_292 = vector.broadcast %min3A_291 : f32 to vector<128x1xf32>
    %min3A_293 = arith.minimumf %min3A_292, %div3A_290 : vector<128x1xf32>
    %mul3A_294 = vector.broadcast %min3A_293 : vector<128x1xf32> to vector<128x128xf32>
    %mul3A_295 = arith.mulf %get3A_279, %mul3A_294 : vector<128x128xf32>
    %swap3A_296 = arith.constant 1664 : index
    %swap3A_297 = arith.constant 0 : index
    %swap3A_298 = vector.load %arg26[%swap3A_296, %swap3A_297] : memref<3328x128xf32, #tpu.memory_space<vmem>>, vector<128x128xf32>
    tpu.vector_store %arg26[%swap3A_296, %swap3A_297], %mul3A_295 {strides = array<i32>} : memref<3328x128xf32, #tpu.memory_space<vmem>>, vector<128x128xf32>,
    %get3A_299 = arith.constant 0 : index
    %get3A_300 = arith.constant 0 : index
    %get3A_301 = vector.load %arg14[%get3A_299, %get3A_300] : memref<128x128xf32, #tpu.memory_space<vmem>>, vector<128x128xf32>
    %mul3A_302 = arith.mulf %get3A_301, %get3A_301 : vector<128x128xf32>
    %reduce_sum3A_303 = arith.constant dense<0.000000e+00> : vector<128xf32>
    %reduce_sum3A_304 = vector.multi_reduction <add>, %mul3A_302, %reduce_sum3A_303 [1] : vector<128x128xf32> to vector<128xf32>
    %broadcast_in_dim3A_305 = vector.shape_cast %reduce_sum3A_304 : vector<128xf32> to vector<128x1xf32>
    %sqrt3A_306 = math.sqrt %broadcast_in_dim3A_305 : vector<128x1xf32>
    %max3A_307 = arith.constant 1.000000e-07 : f32
    %max3A_308 = vector.broadcast %max3A_307 : f32 to vector<128x1xf32>
    %max3A_309 = arith.maximumf %sqrt3A_306, %max3A_308 : vector<128x1xf32>
    %div3A_310 = arith.constant 1.000000e+00 : f32
    %div3A_311 = vector.broadcast %div3A_310 : f32 to vector<128x1xf32>
    %div3A_312 = arith.divf %div3A_311, %max3A_309 : vector<128x1xf32>
    %min3A_313 = arith.constant 1.000000e+00 : f32
    %min3A_314 = vector.broadcast %min3A_313 : f32 to vector<128x1xf32>
    %min3A_315 = arith.minimumf %min3A_314, %div3A_312 : vector<128x1xf32>
    %mul3A_316 = vector.broadcast %min3A_315 : vector<128x1xf32> to vector<128x128xf32>
    %mul3A_317 = arith.mulf %get3A_301, %mul3A_316 : vector<128x128xf32>
    %swap3A_318 = arith.constant 1792 : index
    %swap3A_319 = arith.constant 0 : index
    %swap3A_320 = vector.load %arg26[%swap3A_318, %swap3A_319] : memref<3328x128xf32, #tpu.memory_space<vmem>>, vector<128x128xf32>
    tpu.vector_store %arg26[%swap3A_318, %swap3A_319], %mul3A_317 {strides = array<i32>} : memref<3328x128xf32, #tpu.memory_space<vmem>>, vector<128x128xf32>,
    %get3A_321 = arith.constant 0 : index
    %get3A_322 = arith.constant 0 : index
    %get3A_323 = vector.load %arg15[%get3A_321, %get3A_322] : memref<128x128xf32, #tpu.memory_space<vmem>>, vector<128x128xf32>
    %mul3A_324 = arith.mulf %get3A_323, %get3A_323 : vector<128x128xf32>
    %reduce_sum3A_325 = arith.constant dense<0.000000e+00> : vector<128xf32>
    %reduce_sum3A_326 = vector.multi_reduction <add>, %mul3A_324, %reduce_sum3A_325 [1] : vector<128x128xf32> to vector<128xf32>
    %broadcast_in_dim3A_327 = vector.shape_cast %reduce_sum3A_326 : vector<128xf32> to vector<128x1xf32>
    %sqrt3A_328 = math.sqrt %broadcast_in_dim3A_327 : vector<128x1xf32>
    %max3A_329 = arith.constant 1.000000e-07 : f32
    %max3A_330 = vector.broadcast %max3A_329 : f32 to vector<128x1xf32>
    %max3A_331 = arith.maximumf %sqrt3A_328, %max3A_330 : vector<128x1xf32>
    %div3A_332 = arith.constant 1.000000e+00 : f32
    %div3A_333 = vector.broadcast %div3A_332 : f32 to vector<128x1xf32>
    %div3A_334 = arith.divf %div3A_333, %max3A_331 : vector<128x1xf32>
    %min3A_335 = arith.constant 1.000000e+00 : f32
    %min3A_336 = vector.broadcast %min3A_335 : f32 to vector<128x1xf32>
    %min3A_337 = arith.minimumf %min3A_336, %div3A_334 : vector<128x1xf32>
    %mul3A_338 = vector.broadcast %min3A_337 : vector<128x1xf32> to vector<128x128xf32>
    %mul3A_339 = arith.mulf %get3A_323, %mul3A_338 : vector<128x128xf32>
    %swap3A_340 = arith.constant 1920 : index
    %swap3A_341 = arith.constant 0 : index
    %swap3A_342 = vector.load %arg26[%swap3A_340, %swap3A_341] : memref<3328x128xf32, #tpu.memory_space<vmem>>, vector<128x128xf32>
    tpu.vector_store %arg26[%swap3A_340, %swap3A_341], %mul3A_339 {strides = array<i32>} : memref<3328x128xf32, #tpu.memory_space<vmem>>, vector<128x128xf32>,
    %get3A_343 = arith.constant 0 : index
    %get3A_344 = arith.constant 0 : index
    %get3A_345 = vector.load %arg16[%get3A_343, %get3A_344] : memref<128x128xf32, #tpu.memory_space<vmem>>, vector<128x128xf32>
    %mul3A_346 = arith.mulf %get3A_345, %get3A_345 : vector<128x128xf32>
    %reduce_sum3A_347 = arith.constant dense<0.000000e+00> : vector<128xf32>
    %reduce_sum3A_348 = vector.multi_reduction <add>, %mul3A_346, %reduce_sum3A_347 [1] : vector<128x128xf32> to vector<128xf32>
    %broadcast_in_dim3A_349 = vector.shape_cast %reduce_sum3A_348 : vector<128xf32> to vector<128x1xf32>
    %sqrt3A_350 = math.sqrt %broadcast_in_dim3A_349 : vector<128x1xf32>
    %max3A_351 = arith.constant 1.000000e-07 : f32
    %max3A_352 = vector.broadcast %max3A_351 : f32 to vector<128x1xf32>
    %max3A_353 = arith.maximumf %sqrt3A_350, %max3A_352 : vector<128x1xf32>
    %div3A_354 = arith.constant 1.000000e+00 : f32
    %div3A_355 = vector.broadcast %div3A_354 : f32 to vector<128x1xf32>
    %div3A_356 = arith.divf %div3A_355, %max3A_353 : vector<128x1xf32>
    %min3A_357 = arith.constant 1.000000e+00 : f32
    %min3A_358 = vector.broadcast %min3A_357 : f32 to vector<128x1xf32>
    %min3A_359 = arith.minimumf %min3A_358, %div3A_356 : vector<128x1xf32>
    %mul3A_360 = vector.broadcast %min3A_359 : vector<128x1xf32> to vector<128x128xf32>
    %mul3A_361 = arith.mulf %get3A_345, %mul3A_360 : vector<128x128xf32>
    %swap3A_362 = arith.constant 2048 : index
    %swap3A_363 = arith.constant 0 : index
    %swap3A_364 = vector.load %arg26[%swap3A_362, %swap3A_363] : memref<3328x128xf32, #tpu.memory_space<vmem>>, vector<128x128xf32>
    tpu.vector_store %arg26[%swap3A_362, %swap3A_363], %mul3A_361 {strides = array<i32>} : memref<3328x128xf32, #tpu.memory_space<vmem>>, vector<128x128xf32>,
    %get3A_365 = arith.constant 0 : index
    %get3A_366 = arith.constant 0 : index
    %get3A_367 = vector.load %arg17[%get3A_365, %get3A_366] : memref<128x128xf32, #tpu.memory_space<vmem>>, vector<128x128xf32>
    %mul3A_368 = arith.mulf %get3A_367, %get3A_367 : vector<128x128xf32>
    %reduce_sum3A_369 = arith.constant dense<0.000000e+00> : vector<128xf32>
    %reduce_sum3A_370 = vector.multi_reduction <add>, %mul3A_368, %reduce_sum3A_369 [1] : vector<128x128xf32> to vector<128xf32>
    %broadcast_in_dim3A_371 = vector.shape_cast %reduce_sum3A_370 : vector<128xf32> to vector<128x1xf32>
    %sqrt3A_372 = math.sqrt %broadcast_in_dim3A_371 : vector<128x1xf32>
    %max3A_373 = arith.constant 1.000000e-07 : f32
    %max3A_374 = vector.broadcast %max3A_373 : f32 to vector<128x1xf32>
    %max3A_375 = arith.maximumf %sqrt3A_372, %max3A_374 : vector<128x1xf32>
    %div3A_376 = arith.constant 1.000000e+00 : f32
    %div3A_377 = vector.broadcast %div3A_376 : f32 to vector<128x1xf32>
    %div3A_378 = arith.divf %div3A_377, %max3A_375 : vector<128x1xf32>
    %min3A_379 = arith.constant 1.000000e+00 : f32
    %min3A_380 = vector.broadcast %min3A_379 : f32 to vector<128x1xf32>
    %min3A_381 = arith.minimumf %min3A_380, %div3A_378 : vector<128x1xf32>
    %mul3A_382 = vector.broadcast %min3A_381 : vector<128x1xf32> to vector<128x128xf32>
    %mul3A_383 = arith.mulf %get3A_367, %mul3A_382 : vector<128x128xf32>
    %swap3A_384 = arith.constant 2176 : index
    %swap3A_385 = arith.constant 0 : index
    %swap3A_386 = vector.load %arg26[%swap3A_384, %swap3A_385] : memref<3328x128xf32, #tpu.memory_space<vmem>>, vector<128x128xf32>
    tpu.vector_store %arg26[%swap3A_384, %swap3A_385], %mul3A_383 {strides = array<i32>} : memref<3328x128xf32, #tpu.memory_space<vmem>>, vector<128x128xf32>,
    %get3A_387 = arith.constant 0 : index
    %get3A_388 = arith.constant 0 : index
    %get3A_389 = vector.load %arg18[%get3A_387, %get3A_388] : memref<128x128xf32, #tpu.memory_space<vmem>>, vector<128x128xf32>
    %mul3A_390 = arith.mulf %get3A_389, %get3A_389 : vector<128x128xf32>
    %reduce_sum3A_391 = arith.constant dense<0.000000e+00> : vector<128xf32>
    %reduce_sum3A_392 = vector.multi_reduction <add>, %mul3A_390, %reduce_sum3A_391 [1] : vector<128x128xf32> to vector<128xf32>
    %broadcast_in_dim3A_393 = vector.shape_cast %reduce_sum3A_392 : vector<128xf32> to vector<128x1xf32>
    %sqrt3A_394 = math.sqrt %broadcast_in_dim3A_393 : vector<128x1xf32>
    %max3A_395 = arith.constant 1.000000e-07 : f32
    %max3A_396 = vector.broadcast %max3A_395 : f32 to vector<128x1xf32>
    %max3A_397 = arith.maximumf %sqrt3A_394, %max3A_396 : vector<128x1xf32>
    %div3A_398 = arith.constant 1.000000e+00 : f32
    %div3A_399 = vector.broadcast %div3A_398 : f32 to vector<128x1xf32>
    %div3A_400 = arith.divf %div3A_399, %max3A_397 : vector<128x1xf32>
    %min3A_401 = arith.constant 1.000000e+00 : f32
    %min3A_402 = vector.broadcast %min3A_401 : f32 to vector<128x1xf32>
    %min3A_403 = arith.minimumf %min3A_402, %div3A_400 : vector<128x1xf32>
    %mul3A_404 = vector.broadcast %min3A_403 : vector<128x1xf32> to vector<128x128xf32>
    %mul3A_405 = arith.mulf %get3A_389, %mul3A_404 : vector<128x128xf32>
    %swap3A_406 = arith.constant 2304 : index
    %swap3A_407 = arith.constant 0 : index
    %swap3A_408 = vector.load %arg26[%swap3A_406, %swap3A_407] : memref<3328x128xf32, #tpu.memory_space<vmem>>, vector<128x128xf32>
    tpu.vector_store %arg26[%swap3A_406, %swap3A_407], %mul3A_405 {strides = array<i32>} : memref<3328x128xf32, #tpu.memory_space<vmem>>, vector<128x128xf32>,
    %get3A_409 = arith.constant 0 : index
    %get3A_410 = arith.constant 0 : index
    %get3A_411 = vector.load %arg19[%get3A_409, %get3A_410] : memref<128x128xf32, #tpu.memory_space<vmem>>, vector<128x128xf32>
    %mul3A_412 = arith.mulf %get3A_411, %get3A_411 : vector<128x128xf32>
    %reduce_sum3A_413 = arith.constant dense<0.000000e+00> : vector<128xf32>
    %reduce_sum3A_414 = vector.multi_reduction <add>, %mul3A_412, %reduce_sum3A_413 [1] : vector<128x128xf32> to vector<128xf32>
    %broadcast_in_dim3A_415 = vector.shape_cast %reduce_sum3A_414 : vector<128xf32> to vector<128x1xf32>
    %sqrt3A_416 = math.sqrt %broadcast_in_dim3A_415 : vector<128x1xf32>
    %max3A_417 = arith.constant 1.000000e-07 : f32
    %max3A_418 = vector.broadcast %max3A_417 : f32 to vector<128x1xf32>
    %max3A_419 = arith.maximumf %sqrt3A_416, %max3A_418 : vector<128x1xf32>
    %div3A_420 = arith.constant 1.000000e+00 : f32
    %div3A_421 = vector.broadcast %div3A_420 : f32 to vector<128x1xf32>
    %div3A_422 = arith.divf %div3A_421, %max3A_419 : vector<128x1xf32>
    %min3A_423 = arith.constant 1.000000e+00 : f32
    %min3A_424 = vector.broadcast %min3A_423 : f32 to vector<128x1xf32>
    %min3A_425 = arith.minimumf %min3A_424, %div3A_422 : vector<128x1xf32>
    %mul3A_426 = vector.broadcast %min3A_425 : vector<128x1xf32> to vector<128x128xf32>
    %mul3A_427 = arith.mulf %get3A_411, %mul3A_426 : vector<128x128xf32>
    %swap3A_428 = arith.constant 2432 : index
    %swap3A_429 = arith.constant 0 : index
    %swap3A_430 = vector.load %arg26[%swap3A_428, %swap3A_429] : memref<3328x128xf32, #tpu.memory_space<vmem>>, vector<128x128xf32>
    tpu.vector_store %arg26[%swap3A_428, %swap3A_429], %mul3A_427 {strides = array<i32>} : memref<3328x128xf32, #tpu.memory_space<vmem>>, vector<128x128xf32>,
    %get3A_431 = arith.constant 0 : index
    %get3A_432 = arith.constant 0 : index
    %get3A_433 = vector.load %arg20[%get3A_431, %get3A_432] : memref<128x128xf32, #tpu.memory_space<vmem>>, vector<128x128xf32>
    %mul3A_434 = arith.mulf %get3A_433, %get3A_433 : vector<128x128xf32>
    %reduce_sum3A_435 = arith.constant dense<0.000000e+00> : vector<128xf32>
    %reduce_sum3A_436 = vector.multi_reduction <add>, %mul3A_434, %reduce_sum3A_435 [1] : vector<128x128xf32> to vector<128xf32>
    %broadcast_in_dim3A_437 = vector.shape_cast %reduce_sum3A_436 : vector<128xf32> to vector<128x1xf32>
    %sqrt3A_438 = math.sqrt %broadcast_in_dim3A_437 : vector<128x1xf32>
    %max3A_439 = arith.constant 1.000000e-07 : f32
    %max3A_440 = vector.broadcast %max3A_439 : f32 to vector<128x1xf32>
    %max3A_441 = arith.maximumf %sqrt3A_438, %max3A_440 : vector<128x1xf32>
    %div3A_442 = arith.constant 1.000000e+00 : f32
    %div3A_443 = vector.broadcast %div3A_442 : f32 to vector<128x1xf32>
    %div3A_444 = arith.divf %div3A_443, %max3A_441 : vector<128x1xf32>
    %min3A_445 = arith.constant 1.000000e+00 : f32
    %min3A_446 = vector.broadcast %min3A_445 : f32 to vector<128x1xf32>
    %min3A_447 = arith.minimumf %min3A_446, %div3A_444 : vector<128x1xf32>
    %mul3A_448 = vector.broadcast %min3A_447 : vector<128x1xf32> to vector<128x128xf32>
    %mul3A_449 = arith.mulf %get3A_433, %mul3A_448 : vector<128x128xf32>
    %swap3A_450 = arith.constant 2560 : index
    %swap3A_451 = arith.constant 0 : index
    %swap3A_452 = vector.load %arg26[%swap3A_450, %swap3A_451] : memref<3328x128xf32, #tpu.memory_space<vmem>>, vector<128x128xf32>
    tpu.vector_store %arg26[%swap3A_450, %swap3A_451], %mul3A_449 {strides = array<i32>} : memref<3328x128xf32, #tpu.memory_space<vmem>>, vector<128x128xf32>,
    %get3A_453 = arith.constant 0 : index
    %get3A_454 = arith.constant 0 : index
    %get3A_455 = vector.load %arg21[%get3A_453, %get3A_454] : memref<128x128xf32, #tpu.memory_space<vmem>>, vector<128x128xf32>
    %mul3A_456 = arith.mulf %get3A_455, %get3A_455 : vector<128x128xf32>
    %reduce_sum3A_457 = arith.constant dense<0.000000e+00> : vector<128xf32>
    %reduce_sum3A_458 = vector.multi_reduction <add>, %mul3A_456, %reduce_sum3A_457 [1] : vector<128x128xf32> to vector<128xf32>
    %broadcast_in_dim3A_459 = vector.shape_cast %reduce_sum3A_458 : vector<128xf32> to vector<128x1xf32>
    %sqrt3A_460 = math.sqrt %broadcast_in_dim3A_459 : vector<128x1xf32>
    %max3A_461 = arith.constant 1.000000e-07 : f32
    %max3A_462 = vector.broadcast %max3A_461 : f32 to vector<128x1xf32>
    %max3A_463 = arith.maximumf %sqrt3A_460, %max3A_462 : vector<128x1xf32>
    %div3A_464 = arith.constant 1.000000e+00 : f32
    %div3A_465 = vector.broadcast %div3A_464 : f32 to vector<128x1xf32>
    %div3A_466 = arith.divf %div3A_465, %max3A_463 : vector<128x1xf32>
    %min3A_467 = arith.constant 1.000000e+00 : f32
    %min3A_468 = vector.broadcast %min3A_467 : f32 to vector<128x1xf32>
    %min3A_469 = arith.minimumf %min3A_468, %div3A_466 : vector<128x1xf32>
    %mul3A_470 = vector.broadcast %min3A_469 : vector<128x1xf32> to vector<128x128xf32>
    %mul3A_471 = arith.mulf %get3A_455, %mul3A_470 : vector<128x128xf32>
    %swap3A_472 = arith.constant 2688 : index
    %swap3A_473 = arith.constant 0 : index
    %swap3A_474 = vector.load %arg26[%swap3A_472, %swap3A_473] : memref<3328x128xf32, #tpu.memory_space<vmem>>, vector<128x128xf32>
    tpu.vector_store %arg26[%swap3A_472, %swap3A_473], %mul3A_471 {strides = array<i32>} : memref<3328x128xf32, #tpu.memory_space<vmem>>, vector<128x128xf32>,
    %get3A_475 = arith.constant 0 : index
    %get3A_476 = arith.constant 0 : index
    %get3A_477 = vector.load %arg22[%get3A_475, %get3A_476] : memref<128x128xf32, #tpu.memory_space<vmem>>, vector<128x128xf32>
    %mul3A_478 = arith.mulf %get3A_477, %get3A_477 : vector<128x128xf32>
    %reduce_sum3A_479 = arith.constant dense<0.000000e+00> : vector<128xf32>
    %reduce_sum3A_480 = vector.multi_reduction <add>, %mul3A_478, %reduce_sum3A_479 [1] : vector<128x128xf32> to vector<128xf32>
    %broadcast_in_dim3A_481 = vector.shape_cast %reduce_sum3A_480 : vector<128xf32> to vector<128x1xf32>
    %sqrt3A_482 = math.sqrt %broadcast_in_dim3A_481 : vector<128x1xf32>
    %max3A_483 = arith.constant 1.000000e-07 : f32
    %max3A_484 = vector.broadcast %max3A_483 : f32 to vector<128x1xf32>
    %max3A_485 = arith.maximumf %sqrt3A_482, %max3A_484 : vector<128x1xf32>
    %div3A_486 = arith.constant 1.000000e+00 : f32
    %div3A_487 = vector.broadcast %div3A_486 : f32 to vector<128x1xf32>
    %div3A_488 = arith.divf %div3A_487, %max3A_485 : vector<128x1xf32>
    %min3A_489 = arith.constant 1.000000e+00 : f32
    %min3A_490 = vector.broadcast %min3A_489 : f32 to vector<128x1xf32>
    %min3A_491 = arith.minimumf %min3A_490, %div3A_488 : vector<128x1xf32>
    %mul3A_492 = vector.broadcast %min3A_491 : vector<128x1xf32> to vector<128x128xf32>
    %mul3A_493 = arith.mulf %get3A_477, %mul3A_492 : vector<128x128xf32>
    %swap3A_494 = arith.constant 2816 : index
    %swap3A_495 = arith.constant 0 : index
    %swap3A_496 = vector.load %arg26[%swap3A_494, %swap3A_495] : memref<3328x128xf32, #tpu.memory_space<vmem>>, vector<128x128xf32>
    tpu.vector_store %arg26[%swap3A_494, %swap3A_495], %mul3A_493 {strides = array<i32>} : memref<3328x128xf32, #tpu.memory_space<vmem>>, vector<128x128xf32>,
    %get3A_497 = arith.constant 0 : index
    %get3A_498 = arith.constant 0 : index
    %get3A_499 = vector.load %arg23[%get3A_497, %get3A_498] : memref<128x128xf32, #tpu.memory_space<vmem>>, vector<128x128xf32>
    %mul3A_500 = arith.mulf %get3A_499, %get3A_499 : vector<128x128xf32>
    %reduce_sum3A_501 = arith.constant dense<0.000000e+00> : vector<128xf32>
    %reduce_sum3A_502 = vector.multi_reduction <add>, %mul3A_500, %reduce_sum3A_501 [1] : vector<128x128xf32> to vector<128xf32>
    %broadcast_in_dim3A_503 = vector.shape_cast %reduce_sum3A_502 : vector<128xf32> to vector<128x1xf32>
    %sqrt3A_504 = math.sqrt %broadcast_in_dim3A_503 : vector<128x1xf32>
    %max3A_505 = arith.constant 1.000000e-07 : f32
    %max3A_506 = vector.broadcast %max3A_505 : f32 to vector<128x1xf32>
    %max3A_507 = arith.maximumf %sqrt3A_504, %max3A_506 : vector<128x1xf32>
    %div3A_508 = arith.constant 1.000000e+00 : f32
    %div3A_509 = vector.broadcast %div3A_508 : f32 to vector<128x1xf32>
    %div3A_510 = arith.divf %div3A_509, %max3A_507 : vector<128x1xf32>
    %min3A_511 = arith.constant 1.000000e+00 : f32
    %min3A_512 = vector.broadcast %min3A_511 : f32 to vector<128x1xf32>
    %min3A_513 = arith.minimumf %min3A_512, %div3A_510 : vector<128x1xf32>
    %mul3A_514 = vector.broadcast %min3A_513 : vector<128x1xf32> to vector<128x128xf32>
    %mul3A_515 = arith.mulf %get3A_499, %mul3A_514 : vector<128x128xf32>
    %swap3A_516 = arith.constant 2944 : index
    %swap3A_517 = arith.constant 0 : index
    %swap3A_518 = vector.load %arg26[%swap3A_516, %swap3A_517] : memref<3328x128xf32, #tpu.memory_space<vmem>>, vector<128x128xf32>
    tpu.vector_store %arg26[%swap3A_516, %swap3A_517], %mul3A_515 {strides = array<i32>} : memref<3328x128xf32, #tpu.memory_space<vmem>>, vector<128x128xf32>,
    %get3A_519 = arith.constant 0 : index
    %get3A_520 = arith.constant 0 : index
    %get3A_521 = vector.load %arg24[%get3A_519, %get3A_520] : memref<128x128xf32, #tpu.memory_space<vmem>>, vector<128x128xf32>
    %mul3A_522 = arith.mulf %get3A_521, %get3A_521 : vector<128x128xf32>
    %reduce_sum3A_523 = arith.constant dense<0.000000e+00> : vector<128xf32>
    %reduce_sum3A_524 = vector.multi_reduction <add>, %mul3A_522, %reduce_sum3A_523 [1] : vector<128x128xf32> to vector<128xf32>
    %broadcast_in_dim3A_525 = vector.shape_cast %reduce_sum3A_524 : vector<128xf32> to vector<128x1xf32>
    %sqrt3A_526 = math.sqrt %broadcast_in_dim3A_525 : vector<128x1xf32>
    %max3A_527 = arith.constant 1.000000e-07 : f32
    %max3A_528 = vector.broadcast %max3A_527 : f32 to vector<128x1xf32>
    %max3A_529 = arith.maximumf %sqrt3A_526, %max3A_528 : vector<128x1xf32>
    %div3A_530 = arith.constant 1.000000e+00 : f32
    %div3A_531 = vector.broadcast %div3A_530 : f32 to vector<128x1xf32>
    %div3A_532 = arith.divf %div3A_531, %max3A_529 : vector<128x1xf32>
    %min3A_533 = arith.constant 1.000000e+00 : f32
    %min3A_534 = vector.broadcast %min3A_533 : f32 to vector<128x1xf32>
    %min3A_535 = arith.minimumf %min3A_534, %div3A_532 : vector<128x1xf32>
    %mul3A_536 = vector.broadcast %min3A_535 : vector<128x1xf32> to vector<128x128xf32>
    %mul3A_537 = arith.mulf %get3A_521, %mul3A_536 : vector<128x128xf32>
    %swap3A_538 = arith.constant 3072 : index
    %swap3A_539 = arith.constant 0 : index
    %swap3A_540 = vector.load %arg26[%swap3A_538, %swap3A_539] : memref<3328x128xf32, #tpu.memory_space<vmem>>, vector<128x128xf32>
    tpu.vector_store %arg26[%swap3A_538, %swap3A_539], %mul3A_537 {strides = array<i32>} : memref<3328x128xf32, #tpu.memory_space<vmem>>, vector<128x128xf32>,
    %get3A_541 = arith.constant 0 : index
    %get3A_542 = arith.constant 0 : index
    %get3A_543 = vector.load %arg25[%get3A_541, %get3A_542] : memref<128x128xf32, #tpu.memory_space<vmem>>, vector<128x128xf32>
    %mul3A_544 = arith.mulf %get3A_543, %get3A_543 : vector<128x128xf32>
    %reduce_sum3A_545 = arith.constant dense<0.000000e+00> : vector<128xf32>
    %reduce_sum3A_546 = vector.multi_reduction <add>, %mul3A_544, %reduce_sum3A_545 [1] : vector<128x128xf32> to vector<128xf32>
    %broadcast_in_dim3A_547 = vector.shape_cast %reduce_sum3A_546 : vector<128xf32> to vector<128x1xf32>
    %sqrt3A_548 = math.sqrt %broadcast_in_dim3A_547 : vector<128x1xf32>
    %max3A_549 = arith.constant 1.000000e-07 : f32
    %max3A_550 = vector.broadcast %max3A_549 : f32 to vector<128x1xf32>
    %max3A_551 = arith.maximumf %sqrt3A_548, %max3A_550 : vector<128x1xf32>
    %div3A_552 = arith.constant 1.000000e+00 : f32
    %div3A_553 = vector.broadcast %div3A_552 : f32 to vector<128x1xf32>
    %div3A_554 = arith.divf %div3A_553, %max3A_551 : vector<128x1xf32>
    %min3A_555 = arith.constant 1.000000e+00 : f32
    %min3A_556 = vector.broadcast %min3A_555 : f32 to vector<128x1xf32>
    %min3A_557 = arith.minimumf %min3A_556, %div3A_554 : vector<128x1xf32>
    %mul3A_558 = vector.broadcast %min3A_557 : vector<128x1xf32> to vector<128x128xf32>
    %mul3A_559 = arith.mulf %get3A_543, %mul3A_558 : vector<128x128xf32>
    %swap3A_560 = arith.constant 3200 : index
    %swap3A_561 = arith.constant 0 : index
    %swap3A_562 = vector.load %arg26[%swap3A_560, %swap3A_561] : memref<3328x128xf32, #tpu.memory_space<vmem>>, vector<128x128xf32>
    tpu.vector_store %arg26[%swap3A_560, %swap3A_561], %mul3A_559 {strides = array<i32>} : memref<3328x128xf32, #tpu.memory_space<vmem>>, vector<128x128xf32>,
    return
  }
}

</mosaic_0001>

<sc_bundles>
// kernel: kernel.4.cloned.1.call-start
scs
__scs_entry_jumppad:
0x0: {  	(pc) =	sbr.rel $0x88, $3  }
0x1: {  	(tag) =	ssettag $0x0;
	lr =	simm.s32 $0x1  }
0x2: {  	[smem:$0x3F86] =	sst lr;
	_ =	strace $0xD0000000  }
0x3: {  	_ = 	snop  }
0x4: {  	_ = 	snop  }
0x5: {  	_ = 	snop  }
0x6: {  	_ = 	snop  }
0x7: {  	_ = 	snop  }
__scs_overlays_trampoline_lowered:
0x8: {  	[smem:$0x3F95] =	sst s0  }
0x9: {  	[smem:$0x3F96] =	sst s1  }
0xa: {  	[smem:$0x3F97] =	sst s2  }
0xb: {  	[smem:$0x3F98] =	sst s3  }
0xc: {  	[smem:$0x3F99] =	sst s4  }
0xd: {  	[smem:$0x3F9A] =	sst s5  }
0xe: {  	[smem:$0x3F9B] =	sst s6  }
0xf: {  	[smem:$0x3F9C] =	sst s7  }
0x10: {  	[smem:$0x3F9D] =	sst s8  }
0x11: {  	[smem:$0x3F9E] =	sst s9;
	s0 =	simm.s32 @!p0 $0x0  }
0x12: {  	s1 =	sld [smem:$0x3F84];
	s0 =	simm.s32 @p0 $0x1  }
0x13: {  	[smem:$0x3F9F] =	sst s0;
	s0 =	simm.s32 @!p1 $0x0  }
0x14: {  	s2 =	sld [smem:$0x3F83];
	s0 =	simm.s32 @p1 $0x1  }
0x15: {  	[smem:$0x3FA0] =	sst s0;
	s0 =	simm.s32 @!p2 $0x0  }
0x16: {  	s3 =	sld [smem:$0x3FDB];
	s0 =	simm.s32 @p2 $0x1  }
0x17: {  	s4 =	simm.s32 $0x1BF5;
	[smem:$0x3FA2] =	sst s0  }
0x18: {  	s0 =	sld [smem:$0x3F85];
	_ =	swait.ge [sflag:s4], $0x0  }
0x19: {  	s7 =	sld [smem:$0x3F86]  }
0x1a: {  	s8 =	sadd.s32 $0xFFFFE003, lr  }
0x1b: {  	s9 =	sadd.s32 $0xFFFFFEF7, lr;
	s5 =	simm.s32 $0xFFFFFFFF;
	p2 =	slt.u32 s8, $0xFFFFF086  }
0x1c: {  	p1 =	slt.u32 s9, $0xF7A;
	s5 =	simm.s32 @!p2 $0x0  }
0x1d: {  	s5 =	simm.s32 @p1 $0x1;
	p0 =	seq.s32 s7, s2  }
0x1e: {  	s7 =	smul.u32 @!p0 $0xF7A, s2;
	p2 =	seq.s32 @!p0 s5, $0x0  }
0x1f: {  	s9 =	smul.u32 $0xF7A, s1;
	s8 =	simm.s32 @!p0 $0x1BF5;
	p2 =	por !p2, p0  }
0x20: {  	[sflag:s8] =	ssyncset.s32 @!p0 $0xFFFFF086;
	s6 =	sadd.s32 @!p0 s3, s7;
	s7 =	simm.s32 @!p0 $0x108  }
0x21: {  	s3 =	sadd.s32 s3, s9;
	s6 =	sadd.s32 @!p0 $0x88, s6;
	s7 =	simm.s32 @p2 $0x1082  }
0x22: {  	[simem:s7], [sflag:s8] =	dma.local @!p0 [hbm:s6], $0xF7A  }
0x23: {  	s9 =	sor.u32 $0xD0000000, s2;
	s6 =	simm.s32 $0x108;
	_ =	swait.ge @!p0 [sflag:s8], $0x0  }
0x24: {  	s3 =	sadd.s32 $0x88, s3;
	s6 =	simm.s32 @!p1 $0x1082;
	[sflag:s4] =	ssyncset.s32 $0xFFFFF086  }
0x25: {  	[simem:s6], [sflag:s4] =	dma.local [hbm:s3], $0xF7A  }
0x26: {  	[smem:$0x3F86] =	sst s1;
	(tag) =	ssettag s2;
	_ =	strace s9  }
0x27: {  	s1 =	sld [smem:$0x3F96]  }
0x28: {  	s2 =	sld [smem:$0x3F97]  }
0x29: {  	s4 =	sld [smem:$0x3F99]  }
0x2a: {  	p0 =	seq.s32 s5, $0x0;
	s5 =	sld [smem:$0x3F9A]  }
0x2b: {  	s6 =	sld [smem:$0x3F9B]  }
0x2c: {  	s7 =	sld [smem:$0x3F9C]  }
0x2d: {  	s3 =	simm.s32 $0x108;
	s8 =	sld [smem:$0x3F9D]  }
0x2e: {  	s3 =	simm.s32 @!p0 $0x1082;
	s9 =	sld [smem:$0x3F9E]  }
0x2f: {  	lr =	sadd.s32 s0, s3;
	s0 =	sld [smem:$0x3F95]  }
0x30: {  	s3 =	sld [smem:$0x3F98]  }
0x31: {  	[smem:$0x3FA1] =	sst s10  }
0x32: {  	s10 =	sld [smem:$0x3F9F];
	_ =	sdelay $0x3  }
0x33: {  	p0 =	seq.s32 s10, $0x1;
	s10 =	sld [smem:$0x3FA1];
	_ =	sdelay $0x3  }
0x34: {  	[smem:$0x3FA1] =	sst s10  }
0x35: {  	s10 =	sld [smem:$0x3FA0];
	_ =	sdelay $0x3  }
0x36: {  	p1 =	seq.s32 s10, $0x1;
	s10 =	sld [smem:$0x3FA1];
	_ =	sdelay $0x3  }
0x37: {  	[smem:$0x3FA1] =	sst s10  }
0x38: {  	s10 =	sld [smem:$0x3FA2]  }
0x39: {  	_ = 	snop;
	(pc) =	sbr.ind lr, $3  }
0x3a: {  	_ = 	snop  }
0x3b: {  	_ = 	snop  }
0x3c: {  	p2 =	seq.s32 s10, $0x1;
	s10 =	sld [smem:$0x3FA1]  }
0x3d: {  	_ =	shalt  }
0x3e: {  	_ =	shalt  }
0x3f: {  	_ =	shalt  }
0x40: {  	_ =	shalt  }
0x41: {  	_ =	shalt  }
0x42: {  	_ =	shalt  }
0x43: {  	_ =	shalt  }
0x44: {  	_ =	shalt  }
0x45: {  	_ =	shalt  }
0x46: {  	_ =	shalt  }
0x47: {  	_ =	shalt  }
0x48: {  	_ =	shalt  }
0x49: {  	_ =	shalt  }
0x4a: {  	_ =	shalt  }
0x4b: {  	_ =	shalt  }
0x4c: {  	_ =	shalt  }
0x4d: {  	_ =	shalt  }
0x4e: {  	_ =	shalt  }
0x4f: {  	_ =	shalt  }
0x50: {  	_ =	shalt  }
0x51: {  	_ =	shalt  }
0x52: {  	_ =	shalt  }
0x53: {  	_ =	shalt  }
0x54: {  	_ =	shalt  }
0x55: {  	_ =	shalt  }
0x56: {  	_ =	shalt  }
0x57: {  	_ =	shalt  }
0x58: {  	_ =	shalt  }
0x59: {  	_ =	shalt  }
0x5a: {  	_ =	shalt  }
0x5b: {  	_ =	shalt  }
0x5c: {  	_ =	shalt  }
0x5d: {  	_ =	shalt  }
0x5e: {  	_ =	shalt  }
0x5f: {  	_ =	shalt  }
0x60: {  	_ =	shalt  }
0x61: {  	_ =	shalt  }
0x62: {  	_ =	shalt  }
0x63: {  	_ =	shalt  }
0x64: {  	_ =	shalt  }
0x65: {  	_ =	shalt  }
0x66: {  	_ =	shalt  }
0x67: {  	_ =	shalt  }
0x68: {  	_ =	shalt  }
0x69: {  	_ =	shalt  }
0x6a: {  	_ =	shalt  }
0x6b: {  	_ =	shalt  }
0x6c: {  	_ =	shalt  }
0x6d: {  	_ =	shalt  }
0x6e: {  	_ =	shalt  }
0x6f: {  	_ =	shalt  }
0x70: {  	_ =	shalt  }
0x71: {  	_ =	shalt  }
0x72: {  	_ =	shalt  }
0x73: {  	_ =	shalt  }
0x74: {  	_ =	shalt  }
0x75: {  	_ =	shalt  }
0x76: {  	_ =	shalt  }
0x77: {  	_ =	shalt  }
0x78: {  	_ =	shalt  }
0x79: {  	_ =	shalt  }
0x7a: {  	_ =	shalt  }
0x7b: {  	_ =	shalt  }
0x7c: {  	_ =	shalt  }
0x7d: {  	_ =	shalt  }
0x7e: {  	_ =	shalt  }
0x7f: {  	_ =	shalt  }
0x80: {  	_ =	shalt  }
0x81: {  	_ =	shalt  }
0x82: {  	_ =	shalt  }
0x83: {  	_ =	shalt  }
0x84: {  	_ =	shalt  }
0x85: {  	_ =	shalt  }
0x86: {  	_ =	shalt  }
0x87: {  	_ =	shalt  }
.Lfunc_end0:
.L_simem_size_0:
called_computation_lowered:
.L_overlay_start_0:
0x88: {  	s2 =	sld [smem:$0x3FD9]  }
0x89: {  	s3 =	sld [smem:$0x3FFE];
	_ =	sdelay $0x1  }
0x8a: {  	s1 =	srdreg.scid  }
0x8b: {  	s0 =	sand.u32 $0x1, s1  }
0x8c: {  	s17 =	sshll.u32 s0, $0xA;
	s2 =	sadd.s32 s3, s2  }
0x8d: {  	s2 =	sadd.s32 s2, s17  }
0x8e: {  	[smem:$0x3FAD] =	sst s2  }
0x8f: {  	_ = 	snop  }
0x90: {  	s2 =	sld [smem:$0x3FD0];
	(tm) =	ssettm $0x1  }
0x91: {  	s18 =	sld [smem:$0x3FFB];
	_ =	sdelay $0x3  }
0x92: {  	_ =	strace s18  }
0x93: {  	s3 =	sld [smem:$0x3FFC];
	_ =	sdelay $0x3  }
0x94: {  	_ =	strace s3  }
0x95: {  	s3 =	sld [smem:$0x3FFD];
	_ =	sdelay $0x3  }
0x96: {  	_ =	strace s3  }
0x97: {  	_ =	strace $0x8FFFFFFF  }
0x98: {  	s19 =	sld [smem:$0x3FDB];
	_ =	sdelay $0x1  }
0x99: {  	s4 =	simm.s32 $_scs_section_size  }
0x9a: {  	s5 =	simm.s32 $_size__tile_overlayer_lowered;
	s6 =	simm.s32 $_tile_overlayer_lowered  }
0x9b: {  	s22 =	simm.s32 $0x1BFF;
	s21 =	sshll.u32 s6, $0x1;
	s3 =	sadd.s32 s4, s19  }
0x9c: {  	s7 =	simm.s32 $0x0;
	s20 =	sshll.u32 s5, $0x1;
	s5 =	sadd.s32 s21, s3  }
0x9d: {  	[timem:s7], [sflag:s22] =	dma.local [hbm:s5], s20  }
0x9e: {  	_ =	swait.ge [sflag:s22], s20  }
0x9f: {  	s4 =	ssub.s32 $0x0, s20;
	[sflag:s22] =	ssyncset.done $0x0  }
0xa0: {  	[sflag:s22] =	ssyncadd.s32 s4;
	_ =	sdelay $0x1  }
0xa1: {  	s23 =	simm.s32 $0x1B8B  }
0xa2: {  	_ =	swait.ge [sflag:s23], $0x1  }
0xa3: {  	[sflag:s23] =	ssyncset.done $0x0  }
0xa4: {  	s25 =	simm.s32 $0x1B8E;
	s24 =	sld [smem:$0x3FFE];
	[sflag:s23] =	ssyncadd.s32 $0xFFFFFFFF  }
0xa5: {  	s26 =	simm.s32 $execute0_lowered;
	[smem:$0x3FD2] =	sst s25  }
0xa6: {  	s5 =	sshll.u32 s26, $0x1;
	_ =	strace $0x80000046;
	[dreg:$0x1] =	wrdreg $0xFFFFFFFF  }
0xa7: {  	s28 =	simm.s32 $_size_execute0_lowered;
	s3 =	sadd.s32 s3, s5;
	[dreg:$0x0] =	wrdreg $0x0  }
0xa8: {  	s5 =	sshll.u32 s28, $0x1;
	[dreg:$0x2] =	wrdreg s3  }
0xa9: {  	[dreg:$0x3] =	wrdreg s5  }
0xaa: {  	[dreg:$0x4] =	wrdreg $0xC0  }
0xab: {  	_ =	task [dreg:s7], $0x5FFFF  }
0xac: {  	[dreg:$0x1] =	wrdreg $0xFFFFFFFF  }
0xad: {  	[dreg:$0x0] =	wrdreg $0x60  }
0xae: {  	[dreg:$0x2] =	wrdreg s24  }
0xaf: {  	[dreg:$0x3] =	wrdreg s2  }
0xb0: {  	[dreg:$0x4] =	wrdreg $0x9  }
0xb1: {  	_ =	task.clear_ibuf [dreg:s7], $0x5FFFF;
	_ =	strace $0x90000046  }
0xb2: {  	s29 =	simm.s32 $0x9;
	_ =	strace $0x80000048  }
0xb3: {  	_ =	swait.ge [sflag:s29], $0x1  }
0xb4: {  	[sflag:s29] =	ssyncadd.s32 $0xFFFFFFFF  }
0xb5: {  	_ =	strace $0x90000048  }
0xb6: {  	_ =	sfence  }
0xb7: {  	s30 =	sld [smem:$0x0];
	_ =	sdelay $0x2  }
0xb8: {  	s31 =	sshll.u32 s1, $0xD;
	s1 =	sshrl.u32 s1, $0x2  }
0xb9: {  	s3 =	sand.u32 $0x4000, s31;
	s1 =	sadd.s32 s1, s30  }
0xba: {  	s0 =	sor.u32 s3, s0;
	s1 =	sshll.u32 s1, $0x11  }
0xbb: {  	s0 =	sor.u32 s1, s0  }
0xbc: {  	s0 =	sadd.s32 $0x8F2B, s0  }
0xbd: {  	[sflag:s0] =	ssyncadd.remote.s32 $0x1  }
0xbe: {  	_ =	sfence.sel $0xFFFF  }
0xbf: {  	[dreg:$0x0] =	wrdreg $0xFFFFFFFF;
	(pc) =	sbr.abs _section_cstart, $3  }
0xc0: {  	[dreg:$0x1] =	wrdreg $0xFFFFFFFF  }
0xc1: {  	_ =	task.clear_ibuf [dreg:s7], $0x2FFFF;
	_ =	strace $0x9FFFFFFF  }
0xc2: {  	(tm) =	ssettm $0x7FFFFFFF  }
0xc3: {  	_ =	shalt  }
tec
execute0_lowered:
.L_overlay_start_1:
0x0: {  	(tag) =	ssettag $0x1  }
0x1: {  	s0 =	rddreg [dreg:$0x0]  }
0x2: {  	s1 =	srdreg.scid;
	s8 =	stileid.u32  }
0x3: {  	s2 =	rddreg [dreg:$0x1];
	s4 =	simm.s32 $0x0;
	s28 =	simm.s32 $0x10400  }
0x4: {  	s30 =	simm.s32 $0x13800;
	s29 =	simm.s32 $0xB;
	s31 =	simm.s32 $0x1  }
0x5: {  	s1 =	sand.u32 $0x1, s1;
	s3 =	sshll.u32 s8, $0x1;
	[smem:$0x7FF] =	sst s4  }
0x6: {  	s25 =	sadd.s32 $0x40, s2;
	s18 =	smul.u32 $0x6800, s8;
	s3 =	sor.u32 s1, s3  }
0x7: {  	s26 =	sshll.u32 s8, $0xA;
	s8 =	simm.s32 $0x10;
	s6 =	smul.u32 $0x34000, s3  }
0x8: {  	_ =	strace $0x80000047;
	s5 =	ssub.s32 $0x2, s1;
	s7 =	sshll.u32 s1, $0x9  }
0x9: {  	s1 =	smul.u32 $0x3400, s1;
	s9 =	sadd.s32 s2, s6;
	s6 =	sadd.s32 s6, s25  }
0xa: {  	s23 =	smul.u32 $0x3400, s3;
	s3 =	sadd.s32 $0x10A00, s0;
	[dreg:$0xc] =	wrdreg s6  }
0xb: {  	s24 =	sshrl.u32 s5, $0x1;
	s10 =	sadd.s32 $0xD00, s9;
	[dreg:$0xb] =	wrdreg s9  }
0xc: {  	s4 =	sshrl.u32 s23, $0x3;
	s11 =	sadd.s32 $0xD40, s9;
	[dreg:$0xd] =	wrdreg s10  }
0xd: {  	s4 =	sadd.s32 s4, s0;
	s12 =	sadd.s32 $0x1A00, s9;
	[dreg:$0xe] =	wrdreg s11  }
0xe: {  	s0 =	ssub.s32 s5, s24;
	s14 =	sadd.s32 $0x1A40, s9;
	[dreg:$0xf] =	wrdreg s12  }
0xf: {  	s5 =	sor.u32 s7, s26;
	s15 =	sadd.s32 $0x2700, s9;
	[dreg:$0x10] =	wrdreg s14  }
0x10: {  	s16 =	sadd.s32 $0x2740, s9;
	s9 =	simm.s32 $0x0;
	[dreg:$0x11] =	wrdreg s15  }
0x11: {  	s4 =	sadd.s32 $0x3A00, s4;
	s13 =	sor.u32 $0x20, s5;
	[dreg:$0x12] =	wrdreg s16  }
0x12: {  	s17 =	sor.u32 $0x38, s5;
	s0 =	smax.u32 s0, $0x1;
	s19 =	sor.u32 $0x30, s5  }
0x13: {  	s5 =	sor.u32 $0x28, s5;
	s10 =	simm.s32 $0x14500;
	s15 =	simm.s32 $0x15200  }
0x14: {  	s16 =	simm.s32 $0x2;
	[dreg:$0xa] =	wrdreg s4;
	s6 =	sshrl.u32 s13, $0x3  }
0x15: {  	[dreg:$0x13] =	wrdreg s0;
	s7 =	sshrl.u32 s17, $0x3;
	s20 =	sshrl.u32 s19, $0x3  }
0x16: {  	s5 =	sshrl.u32 s5, $0x3;
	s0 =	sadd.s32 s1, s18;
	s17 =	simm.s32 $0x68  }
0x17: {  	s1 =	simm.s32 $0x16C00;
	s6 =	smul.u32 $0xD00, s6;
	s24 =	sor.u32 $0x30, s0  }
0x18: {  	s7 =	smul.u32 $0xD00, s7;
	s0 =	sor.u32 $0x340, s0;
	[dreg:$0x14] =	wrdreg s24  }
0x19: {  	s13 =	simm.s32 $0x11100;
	[dreg:$0x15] =	wrdreg s0;
	s6 =	sadd.s32 s6, s2  }
0x1a: {  	s5 =	smul.u32 $0xD00, s5;
	s21 =	sadd.s32 s7, s25;
	[dreg:$0x3] =	wrdreg s6  }
0x1b: {  	s4 =	simm.s32 $0xD;
	s7 =	sadd.s32 s7, s2;
	[dreg:$0x4] =	wrdreg s21  }
0x1c: {  	s26 =	sadd.s32 s5, s2;
	s6 =	smul.u32 $0xD00, s20;
	[dreg:$0x5] =	wrdreg s7  }
0x1d: {  	s0 =	simm.s32 $0x1A000;
	s24 =	simm.s32 $0xA;
	[dreg:$0x9] =	wrdreg s26  }
0x1e: {  	s20 =	simm.s32 $0x80;
	s26 =	simm.s32 $0xEA00;
	s22 =	sadd.s32 s6, s25  }
0x1f: {  	s7 =	simm.s32 $0xF;
	s23 =	sadd.s32 s6, s2;
	[dreg:$0x6] =	wrdreg s22  }
0x20: {  	s25 =	sadd.s32 s5, s25;
	s5 =	simm.s32 $0xC300;
	[dreg:$0x7] =	wrdreg s23  }
0x21: {  	s2 =	simm.s32 $0xC;
	s6 =	simm.s32 $0xE;
	[dreg:$0x8] =	wrdreg s25  }
0x22: {  	v0 =	vlaneseq.u32;
	s23 =	simm.s32 $0x9C00;
	s25 =	simm.s32 $0xD000;
	s22 =	simm.s32 $0x400  }
.LBB2_1:
0x23: {  	s12 =	rddreg [dreg:$0xa]  }
0x24: {  	s11 =	simm.s32 $0x0;
	s18 =	rddreg [dreg:$0x14]  }
0x25: {  	[tilespmem:s11], [sflag:$0x11] =	stream.linear.gather [hbm4b:s12+s11], $0x3400, $0x38;
	[tilespmem:$0x1D400] =	vst v63  }
0x26: {  	s12 =	sadd.s32 $0xFFFFFFD0, s18  }
0x27: {  	s14 =	simm.s32 $0x11;
	s19 =	sadd.s32 $0xFFFFFFF0, s18;
	v2 =	vor.u32 s12, v0  }
0x28: {  	_ =	swait.ge [sflag:s14], $0x3400;
	v6 =	vor.u32 s19, v0;
	v3 =	vmulhi.u32 $0x4EC4EC4F, v2  }
0x29: {  	s21 =	sadd.s32 $0xFFFFFFE0, s18;
	[sflag:s14] =	ssyncset.done $0x0;
	v4 =	vmulhi.u32 $0x4EC4EC4F, v6  }
0x2a: {  	s11 =	simm.s32 $0x20;
	v7 =	vor.u32 s18, v0;
	v1 =	vor.u32 s21, v0;
	[sflag:s14] =	ssyncadd.s32 $0xFFFFCC00;
	v3 =	vshrl.u32 v3, $0x3  }
0x2b: {  	v5 =	vmulhi.u32 $0x4EC4EC4F, v7;
	v8 =	vld [tilespmem:s11+$0xFFFFFFE0];
	v4 =	vshrl.u32 v4, $0x3;
	v3 =	vmul.u32 $0x1A, v3  }
0x2c: {  	v9 =	vmulhi.u32 $0x4EC4EC4F, v1;
	v10 =	vmul.u32 $0x1A, v4;
	v4 =	vld [tilespmem:s11+$0x0]  }
0x2d: {  	v5 =	vshrl.u32 v5, $0x3;
	v2 =	vsub.s32 v2, v3;
	v3 =	vld [tilespmem:s11+$0x10]  }
0x2e: {  	v9 =	vshrl.u32 v9, $0x3;
	v11 =	vmul.u32 $0x1A, v5  }
0x2f: {  	v5 =	vmul.u32 $0x1A, v9;
	v6 =	vsub.s32 v6, v10;
	v12 =	vshll.u32 v2, $0x7;
	v2 =	vld [tilespmem:s11+$0xFFFFFFF0]  }
0x30: {  	s18 =	sadd.s32 $0x40, s18;
	s12 =	simm.s32 $0x20;
	s14 =	simm.s32 $0x0;
	v7 =	vsub.s32 v7, v11;
	v6 =	vshll.u32 v6, $0x7;
	v8 =	vadd.s32 v12, v8  }
.LBB2_2:
0x31: {  	s19 =	sadd.s32 $0xFFFFFFD0, s18;
	s21 =	sadd.s32 $0xFFFFFFE0, s18;
	[tilespmem:s11+$0xFFFFFFE0] =	vst v8;
	v5 =	vsub.s32 v1, v5;
	v4 =	vadd.s32 v6, v4;
	v6 =	vshll.u32 v7, $0x7  }
0x32: {  	v7 =	vor.u32 s19, v0;
	v1 =	vor.u32 s21, v0;
	s19 =	sadd.s32 $0xFFFFFFF0, s18;
	[tilespmem:s11+$0x0] =	vst v4;
	v3 =	vadd.s32 v6, v3  }
0x33: {  	s14 =	sadd.s32 $0x4, s14;
	v5 =	vshll.u32 v5, $0x7;
	v4 =	vmulhi.u32 $0x4EC4EC4F, v7;
	v6 =	vor.u32 s19, v0;
	[tilespmem:s11+$0x10] =	vst v3  }
0x34: {  	v9 =	vor.u32 s18, v0;
	p0 =	slt.u32 s14, $0x30;
	v2 =	vadd.s32 v5, v2;
	s11 =	sadd.s32 $0x40, s11;
	v3 =	vmulhi.u32 $0x4EC4EC4F, v6  }
0x35: {  	v5 =	vmulhi.u32 $0x4EC4EC4F, v9;
	v4 =	vshrl.u32 v4, $0x3;
	v8 =	vld [tilespmem:s11+$0xFFFFFFE0];
	[tilespmem:s12+$0xFFFFFFF0] =	vst v2;
	s12 =	smov.u32 s11  }
.Ltmp0:
0x36: {  	v10 =	vmulhi.u32 $0x4EC4EC4F, v1;
	v2 =	vmul.u32 $0x1A, v4;
	v3 =	vshrl.u32 v3, $0x3;
	v4 =	vld [tilespmem:s11+$0x0];
	(pc) =	sbr.rel @p0 .LBB2_2-.Ltmp0, $4  }
0x37: {  	v5 =	vshrl.u32 v5, $0x3;
	v11 =	vmul.u32 $0x1A, v3;
	v3 =	vld [tilespmem:s11+$0x10]  }
0x38: {  	v10 =	vshrl.u32 v10, $0x3;
	v12 =	vmul.u32 $0x1A, v5;
	v7 =	vsub.s32 v7, v2;
	v2 =	vld [tilespmem:s11+$0xFFFFFFF0]  }
0x39: {  	v5 =	vmul.u32 $0x1A, v10;
	v7 =	vshll.u32 v7, $0x7;
	v6 =	vsub.s32 v6, v11  }
0x3a: {  	s18 =	sadd.s32 $0x40, s18;
	v8 =	vadd.s32 v7, v8;
	v6 =	vshll.u32 v6, $0x7;
	v7 =	vsub.s32 v9, v12  }
0x3b: {  	[tilespmem:s11+$0xFFFFFFE0] =	vst v8;
	v1 =	vsub.s32 v1, v5;
	v4 =	vadd.s32 v6, v4;
	v5 =	vshll.u32 v7, $0x7  }
0x3c: {  	[tilespmem:s11+$0x0] =	vst v4;
	v3 =	vadd.s32 v5, v3;
	v1 =	vshll.u32 v1, $0x7  }
0x3d: {  	[tilespmem:s11+$0x10] =	vst v3;
	v1 =	vadd.s32 v1, v2  }
0x3e: {  	s19 =	simm.s32 $0x0;
	s21 =	simm.s32 $0x3400;
	[tilespmem:s12+$0xFFFFFFF0] =	vst v1  }
0x3f: {  	[tilespmem:s21], [sflag:$0x1] =	stream.indirect.gather [hbm4b:s3+s17], $0x80, s19, s17, $0xb8;
	[tilespmem:$0x1D400] =	vst v63  }
0x40: {  	[dreg:$0x16] =	wrdreg s9;
	s9 =	simm.s32 $0x6800  }
0x41: {  	[tilespmem:s9], [sflag:$0x2] =	stream.indirect.gather [hbm4b:s3+s17], $0x80, s17, s17, $0xb8;
	[tilespmem:$0x1D400] =	vst v63  }
0x42: {  	s12 =	simm.s32 $0xD0  }
0x43: {  	[tilespmem:s23], [sflag:$0x3] =	stream.indirect.gather [hbm4b:s3+s17], $0x80, s12, s17, $0xb8;
	[tilespmem:$0x1D400] =	vst v63  }
0x44: {  	s14 =	simm.s32 $0x138  }
0x45: {  	[tilespmem:s25], [sflag:$0x4] =	stream.indirect.gather [hbm4b:s3+s17], $0x80, s14, s17, $0xb8;
	[tilespmem:$0x1D400] =	vst v63  }
0x46: {  	s18 =	simm.s32 $0x1A0  }
0x47: {  	[tilespmem:s28], [sflag:$0x5] =	stream.indirect.gather [hbm4b:s3+s17], $0x80, s18, s17, $0xb8;
	[tilespmem:$0x1D400] =	vst v63  }
0x48: {  	s19 =	simm.s32 $0x208;
	s18 =	rddreg [dreg:$0x15]  }
0x49: {  	[tilespmem:s30], [sflag:$0x6] =	stream.indirect.gather [hbm4b:s3+s17], $0x80, s19, s17, $0xb8;
	[tilespmem:$0x1D400] =	vst v63  }
0x4a: {  	s11 =	simm.s32 $0x370;
	s21 =	simm.s32 $0x270;
	v1 =	vor.u32 s18, v0;
	s28 =	sadd.s32 $0x10, s18  }
0x4b: {  	v2 =	vmulhi.u32 $0x4EC4EC4F, v1;
	[tilespmem:s1], [sflag:$0x7] =	stream.indirect.gather [hbm4b:s3+s17], $0x80, s21, s17, $0xb8;
	[tilespmem:$0x1D400] =	vst v63  }
0x4c: {  	s25 =	simm.s32 $0x2D8;
	s14 =	sadd.s32 $0x20, s18;
	v3 =	vor.u32 s28, v0;
	s30 =	sadd.s32 $0x30, s18  }
0x4d: {  	v4 =	vmulhi.u32 $0x4EC4EC4F, v3;
	v5 =	vor.u32 s30, v0;
	v2 =	vshrl.u32 v2, $0x3;
	[tilespmem:s0], [sflag:$0x8] =	stream.indirect.gather [hbm4b:s3+s17], $0x80, s25, s17, $0xb8;
	[tilespmem:$0x1D400] =	vst v63  }
0x4e: {  	v6 =	vor.u32 s14, v0;
	v63 =	vmulhi.u32 $0x4EC4EC4F, v5;
	v2 =	vmul.u32 $0x1A, v2;
	v7 =	vld [tilespmem:s11+$0xFFFFFFD0]  }
0x4f: {  	v10 =	vmulhi.u32 $0x4EC4EC4F, v6;
	v4 =	vshrl.u32 v4, $0x3;
	v9 =	vld [tilespmem:s11+$0xFFFFFFE0]  }
0x50: {  	v4 =	vmul.u32 $0x1A, v4;
	v8 =	vshrl.u32 v63, $0x3;
	v1 =	vsub.s32 v1, v2;
	v2 =	vld [tilespmem:s11+$0x0]  }
0x51: {  	v10 =	vshrl.u32 v10, $0x3;
	v8 =	vmul.u32 $0x1A, v8  }
0x52: {  	v11 =	vshll.u32 v1, $0x7;
	v3 =	vsub.s32 v3, v4;
	v4 =	vmul.u32 $0x1A, v10;
	v1 =	vld [tilespmem:s11+$0xFFFFFFF0]  }
0x53: {  	v3 =	vshll.u32 v3, $0x7;
	v5 =	vsub.s32 v5, v8;
	v7 =	vadd.s32 v11, v7  }
0x54: {  	s12 =	simm.s32 $0x34;
	s18 =	sadd.s32 $0x40, s18;
	s14 =	simm.s32 $0x370;
	v4 =	vsub.s32 v6, v4;
	v5 =	vshll.u32 v5, $0x7;
	v3 =	vadd.s32 v3, v9;
	[tilespmem:s11+$0xFFFFFFD0] =	vst v7  }
.LBB2_4:
0x55: {  	v6 =	vor.u32 s18, v0;
	s19 =	sadd.s32 $0x10, s18;
	s21 =	sadd.s32 $0x20, s18;
	[tilespmem:s11+$0xFFFFFFE0] =	vst v3;
	v3 =	vshll.u32 v4, $0x7;
	v2 =	vadd.s32 v5, v2  }
0x56: {  	s12 =	sadd.s32 $0x4, s12;
	v4 =	vmulhi.u32 $0x4EC4EC4F, v6;
	v5 =	vor.u32 s19, v0;
	v7 =	vor.u32 s21, v0;
	s19 =	sadd.s32 $0x30, s18;
	[tilespmem:s11+$0x0] =	vst v2  }
0x57: {  	p0 =	slt.u32 s12, $0x33C;
	v1 =	vadd.s32 v3, v1;
	s11 =	sadd.s32 $0x40, s11;
	v2 =	vmulhi.u32 $0x4EC4EC4F, v5;
	v8 =	vor.u32 s19, v0  }
0x58: {  	v3 =	vshrl.u32 v4, $0x3;
	v4 =	vld [tilespmem:s11+$0xFFFFFFD0];
	v9 =	vmulhi.u32 $0x4EC4EC4F, v8;
	[tilespmem:s14+$0xFFFFFFF0] =	vst v1;
	s14 =	smov.u32 s11  }
0x59: {  	v10 =	vmulhi.u32 $0x4EC4EC4F, v7;
	v1 =	vmul.u32 $0x1A, v3;
	v2 =	vshrl.u32 v2, $0x3;
	v3 =	vld [tilespmem:s11+$0xFFFFFFE0]  }
.Ltmp1:
0x5a: {  	v11 =	vmul.u32 $0x1A, v2;
	v9 =	vshrl.u32 v9, $0x3;
	v2 =	vld [tilespmem:s11+$0x0];
	(pc) =	sbr.rel @p0 .LBB2_4-.Ltmp1, $4  }
0x5b: {  	v10 =	vshrl.u32 v10, $0x3;
	v6 =	vsub.s32 v6, v1;
	v1 =	vld [tilespmem:s11+$0xFFFFFFF0];
	v9 =	vmul.u32 $0x1A, v9  }
0x5c: {  	v10 =	vmul.u32 $0x1A, v10;
	v6 =	vshll.u32 v6, $0x7;
	v5 =	vsub.s32 v5, v11  }
0x5d: {  	v4 =	vadd.s32 v6, v4;
	v5 =	vshll.u32 v5, $0x7;
	v6 =	vsub.s32 v8, v9  }
0x5e: {  	s18 =	sadd.s32 $0x40, s18;
	[tilespmem:s11+$0xFFFFFFD0] =	vst v4;
	v3 =	vadd.s32 v5, v3;
	v4 =	vsub.s32 v7, v10;
	v5 =	vshll.u32 v6, $0x7  }
0x5f: {  	[tilespmem:s11+$0xFFFFFFE0] =	vst v3;
	v3 =	vshll.u32 v4, $0x7;
	v2 =	vadd.s32 v5, v2  }
0x60: {  	[tilespmem:s11+$0x0] =	vst v2;
	v1 =	vadd.s32 v3, v1  }
0x61: {  	[tilespmem:s14+$0xFFFFFFF0] =	vst v1  }
0x62: {  	_ =	swait.ge [sflag:s31], $0x3400  }
0x63: {  	[sflag:s31] =	ssyncset.done $0x0  }
0x64: {  	s21 =	simm.s32 $0x3400;
	s12 =	rddreg [dreg:$0xb];
	[sflag:s31] =	ssyncadd.s32 $0xFFFFCC00  }
0x65: {  	[hbm4b:s12+s20] =	stream.strided.scatter [tilespmem:s21], [sflag:$0x9], $0xD00, s22, s20, $0x38;
	[tilespmem:$0x1D400] =	vst v63  }
0x66: {  	s14 =	simm.s32 $0x4100;
	s0 =	sadd.s32 $0x10, s12  }
0x67: {  	[hbm4b:s0+s20] =	stream.strided.scatter [tilespmem:s14], [sflag:$0x9], $0xD00, s22, s20, $0x38;
	[tilespmem:$0x1D400] =	vst v63  }
0x68: {  	s1 =	sadd.s32 $0x20, s12;
	s0 =	simm.s32 $0x4E00  }
0x69: {  	[hbm4b:s1+s20] =	stream.strided.scatter [tilespmem:s0], [sflag:$0x9], $0xD00, s22, s20, $0x38;
	[tilespmem:$0x1D400] =	vst v63  }
0x6a: {  	s9 =	sadd.s32 $0x30, s12;
	s12 =	simm.s32 $0x5B00  }
0x6b: {  	[hbm4b:s9+s20] =	stream.strided.scatter [tilespmem:s12], [sflag:$0x9], $0xD00, s22, s20, $0x38;
	[tilespmem:$0x1D400] =	vst v63  }
0x6c: {  	_ =	swait.ge [sflag:s16], $0x3400  }
0x6d: {  	[sflag:s16] =	ssyncset.done $0x0  }
0x6e: {  	s19 =	simm.s32 $0x6800;
	s12 =	rddreg [dreg:$0xc];
	[sflag:s16] =	ssyncadd.s32 $0xFFFFCC00  }
0x6f: {  	[hbm4b:s12+s20] =	stream.strided.scatter [tilespmem:s19], [sflag:$0xA], $0xD00, s22, s20, $0x38;
	[tilespmem:$0x1D400] =	vst v63  }
0x70: {  	s25 =	simm.s32 $0x7500;
	s18 =	sadd.s32 $0x10, s12  }
0x71: {  	[hbm4b:s18+s20] =	stream.strided.scatter [tilespmem:s25], [sflag:$0xA], $0xD00, s22, s20, $0x38;
	[tilespmem:$0x1D400] =	vst v63  }
0x72: {  	s9 =	simm.s32 $0x8200;
	s1 =	sadd.s32 $0x20, s12  }
0x73: {  	[hbm4b:s1+s20] =	stream.strided.scatter [tilespmem:s9], [sflag:$0xA], $0xD00, s22, s20, $0x38;
	[tilespmem:$0x1D400] =	vst v63  }
0x74: {  	s18 =	sadd.s32 $0x30, s12;
	s25 =	simm.s32 $0x8F00;
	s9 =	simm.s32 $0x3  }
0x75: {  	[hbm4b:s18+s20] =	stream.strided.scatter [tilespmem:s25], [sflag:$0xA], $0xD00, s22, s20, $0x38;
	[tilespmem:$0x1D400] =	vst v63  }
0x76: {  	_ =	swait.ge [sflag:s9], $0x3400  }
0x77: {  	[sflag:s9] =	ssyncset.done $0x0  }
0x78: {  	s12 =	rddreg [dreg:$0xd];
	[sflag:s9] =	ssyncadd.s32 $0xFFFFCC00  }
0x79: {  	[hbm4b:s12+s20] =	stream.strided.scatter [tilespmem:s23], [sflag:$0xB], $0xD00, s22, s20, $0x38;
	[tilespmem:$0x1D400] =	vst v63  }
0x7a: {  	s1 =	simm.s32 $0xA900;
	s0 =	sadd.s32 $0x10, s12  }
0x7b: {  	[hbm4b:s0+s20] =	stream.strided.scatter [tilespmem:s1], [sflag:$0xB], $0xD00, s22, s20, $0x38;
	[tilespmem:$0x1D400] =	vst v63  }
0x7c: {  	s25 =	simm.s32 $0xB600;
	s18 =	sadd.s32 $0x20, s12  }
0x7d: {  	[hbm4b:s18+s20] =	stream.strided.scatter [tilespmem:s25], [sflag:$0xB], $0xD00, s22, s20, $0x38;
	[tilespmem:$0x1D400] =	vst v63  }
0x7e: {  	s0 =	sadd.s32 $0x30, s12  }
0x7f: {  	[hbm4b:s0+s20] =	stream.strided.scatter [tilespmem:s5], [sflag:$0xB], $0xD00, s22, s20, $0x38;
	[tilespmem:$0x1D400] =	vst v63  }
0x80: {  	s5 =	simm.s32 $0x4  }
0x81: {  	_ =	swait.ge [sflag:s5], $0x3400  }
0x82: {  	[sflag:s5] =	ssyncset.done $0x0  }
0x83: {  	s25 =	simm.s32 $0xD000;
	s12 =	rddreg [dreg:$0xe];
	[sflag:s5] =	ssyncadd.s32 $0xFFFFCC00  }
0x84: {  	[hbm4b:s12+s20] =	stream.strided.scatter [tilespmem:s25], [sflag:$0xC], $0xD00, s22, s20, $0x38;
	[tilespmem:$0x1D400] =	vst v63  }
0x85: {  	s18 =	simm.s32 $0xDD00;
	s1 =	sadd.s32 $0x10, s12  }
0x86: {  	[hbm4b:s1+s20] =	stream.strided.scatter [tilespmem:s18], [sflag:$0xC], $0xD00, s22, s20, $0x38;
	[tilespmem:$0x1D400] =	vst v63  }
0x87: {  	s0 =	sadd.s32 $0x20, s12  }
0x88: {  	[hbm4b:s0+s20] =	stream.strided.scatter [tilespmem:s26], [sflag:$0xC], $0xD00, s22, s20, $0x38;
	[tilespmem:$0x1D400] =	vst v63  }
0x89: {  	s1 =	sadd.s32 $0x30, s12;
	s12 =	simm.s32 $0xF700;
	s26 =	simm.s32 $0x5  }
0x8a: {  	[hbm4b:s1+s20] =	stream.strided.scatter [tilespmem:s12], [sflag:$0xC], $0xD00, s22, s20, $0x38;
	[tilespmem:$0x1D400] =	vst v63  }
0x8b: {  	_ =	swait.ge [sflag:s26], $0x3400  }
0x8c: {  	[sflag:s26] =	ssyncset.done $0x0  }
0x8d: {  	s28 =	simm.s32 $0x10400;
	s12 =	rddreg [dreg:$0xf];
	[sflag:s26] =	ssyncadd.s32 $0xFFFFCC00  }
0x8e: {  	[hbm4b:s12+s20] =	stream.strided.scatter [tilespmem:s28], [sflag:$0xD], $0xD00, s22, s20, $0x38;
	[tilespmem:$0x1D400] =	vst v63  }
0x8f: {  	s18 =	sadd.s32 $0x10, s12  }
0x90: {  	[hbm4b:s18+s20] =	stream.strided.scatter [tilespmem:s13], [sflag:$0xD], $0xD00, s22, s20, $0x38;
	[tilespmem:$0x1D400] =	vst v63  }
0x91: {  	s1 =	simm.s32 $0x11E00;
	s0 =	sadd.s32 $0x20, s12  }
0x92: {  	[hbm4b:s0+s20] =	stream.strided.scatter [tilespmem:s1], [sflag:$0xD], $0xD00, s22, s20, $0x38;
	[tilespmem:$0x1D400] =	vst v63  }
0x93: {  	s12 =	sadd.s32 $0x30, s12;
	s13 =	simm.s32 $0x12B00  }
0x94: {  	[hbm4b:s12+s20] =	stream.strided.scatter [tilespmem:s13], [sflag:$0xD], $0xD00, s22, s20, $0x38;
	[tilespmem:$0x1D400] =	vst v63  }
0x95: {  	s13 =	simm.s32 $0x6  }
0x96: {  	_ =	swait.ge [sflag:s13], $0x3400  }
0x97: {  	[sflag:s13] =	ssyncset.done $0x0  }
0x98: {  	s30 =	simm.s32 $0x13800;
	s18 =	rddreg [dreg:$0x10];
	[sflag:s13] =	ssyncadd.s32 $0xFFFFCC00  }
0x99: {  	[hbm4b:s18+s20] =	stream.strided.scatter [tilespmem:s30], [sflag:$0xE], $0xD00, s22, s20, $0x38;
	[tilespmem:$0x1D400] =	vst v63  }
0x9a: {  	s0 =	sadd.s32 $0x10, s18  }
0x9b: {  	[hbm4b:s0+s20] =	stream.strided.scatter [tilespmem:s10], [sflag:$0xE], $0xD00, s22, s20, $0x38;
	[tilespmem:$0x1D400] =	vst v63  }
0x9c: {  	s1 =	sadd.s32 $0x20, s18  }
0x9d: {  	[hbm4b:s1+s20] =	stream.strided.scatter [tilespmem:s15], [sflag:$0xE], $0xD00, s22, s20, $0x38;
	[tilespmem:$0x1D400] =	vst v63  }
0x9e: {  	s12 =	simm.s32 $0x15F00;
	s10 =	sadd.s32 $0x30, s18  }
0x9f: {  	[hbm4b:s10+s20] =	stream.strided.scatter [tilespmem:s12], [sflag:$0xE], $0xD00, s22, s20, $0x38;
	[tilespmem:$0x1D400] =	vst v63  }
0xa0: {  	s10 =	simm.s32 $0x7  }
0xa1: {  	_ =	swait.ge [sflag:s10], $0x3400  }
0xa2: {  	[sflag:s10] =	ssyncset.done $0x0  }
0xa3: {  	s1 =	simm.s32 $0x16C00;
	s12 =	rddreg [dreg:$0x11];
	[sflag:s10] =	ssyncadd.s32 $0xFFFFCC00  }
0xa4: {  	[hbm4b:s12+s20] =	stream.strided.scatter [tilespmem:s1], [sflag:$0xF], $0xD00, s22, s20, $0x38;
	[tilespmem:$0x1D400] =	vst v63  }
0xa5: {  	s18 =	simm.s32 $0x17900;
	s15 =	sadd.s32 $0x10, s12  }
0xa6: {  	[hbm4b:s15+s20] =	stream.strided.scatter [tilespmem:s18], [sflag:$0xF], $0xD00, s22, s20, $0x38;
	[tilespmem:$0x1D400] =	vst v63  }
0xa7: {  	s15 =	sadd.s32 $0x20, s12;
	s18 =	simm.s32 $0x18600  }
0xa8: {  	[hbm4b:s15+s20] =	stream.strided.scatter [tilespmem:s18], [sflag:$0xF], $0xD00, s22, s20, $0x38;
	[tilespmem:$0x1D400] =	vst v63  }
0xa9: {  	s15 =	sadd.s32 $0x30, s12;
	s18 =	simm.s32 $0x19300  }
0xaa: {  	[hbm4b:s15+s20] =	stream.strided.scatter [tilespmem:s18], [sflag:$0xF], $0xD00, s22, s20, $0x38;
	[tilespmem:$0x1D400] =	vst v63  }
0xab: {  	s15 =	simm.s32 $0x8  }
0xac: {  	_ =	swait.ge [sflag:s15], $0x3400  }
0xad: {  	[sflag:s15] =	ssyncset.done $0x0  }
0xae: {  	s0 =	simm.s32 $0x1A000;
	s12 =	rddreg [dreg:$0x12];
	[sflag:s15] =	ssyncadd.s32 $0xFFFFCC00  }
0xaf: {  	[hbm4b:s12+s20] =	stream.strided.scatter [tilespmem:s0], [sflag:$0x10], $0xD00, s22, s20, $0x38;
	[tilespmem:$0x1D400] =	vst v63  }
0xb0: {  	s18 =	simm.s32 $0x1AD00;
	s11 =	sadd.s32 $0x10, s12  }
0xb1: {  	[hbm4b:s11+s20] =	stream.strided.scatter [tilespmem:s18], [sflag:$0x10], $0xD00, s22, s20, $0x38;
	[tilespmem:$0x1D400] =	vst v63  }
0xb2: {  	s11 =	sadd.s32 $0x20, s12;
	s18 =	simm.s32 $0x1BA00  }
0xb3: {  	[hbm4b:s11+s20] =	stream.strided.scatter [tilespmem:s18], [sflag:$0x10], $0xD00, s22, s20, $0x38;
	[tilespmem:$0x1D400] =	vst v63  }
0xb4: {  	s12 =	sadd.s32 $0x30, s12;
	s18 =	simm.s32 $0x1C700  }
0xb5: {  	[hbm4b:s12+s20] =	stream.strided.scatter [tilespmem:s18], [sflag:$0x10], $0xD00, s22, s20, $0x38;
	[tilespmem:$0x1D400] =	vst v63  }
0xb6: {  	s18 =	simm.s32 $0x9  }
0xb7: {  	_ =	swait.ge [sflag:s18], $0x3400  }
0xb8: {  	[sflag:s18] =	ssyncset.done $0x0  }
0xb9: {  	s12 =	simm.s32 $0x340;
	[sflag:s18] =	ssyncadd.s32 $0xFFFFCC00  }
0xba: {  	[tilespmem:s21], [sflag:$0x1] =	stream.indirect.gather [hbm4b:s3+s17], $0x80, s12, s17, $0xb8;
	[tilespmem:$0x1D400] =	vst v63  }
0xbb: {  	_ =	swait.ge [sflag:s24], $0x3400  }
0xbc: {  	[sflag:s24] =	ssyncset.done $0x0  }
0xbd: {  	s12 =	simm.s32 $0x3A8;
	[sflag:s24] =	ssyncadd.s32 $0xFFFFCC00  }
0xbe: {  	[tilespmem:s19], [sflag:$0x2] =	stream.indirect.gather [hbm4b:s3+s17], $0x80, s12, s17, $0xb8;
	[tilespmem:$0x1D400] =	vst v63  }
0xbf: {  	_ =	swait.ge [sflag:s29], $0x3400  }
0xc0: {  	[sflag:s29] =	ssyncset.done $0x0  }
0xc1: {  	s12 =	simm.s32 $0x410;
	[sflag:s29] =	ssyncadd.s32 $0xFFFFCC00  }
0xc2: {  	[tilespmem:s23], [sflag:$0x3] =	stream.indirect.gather [hbm4b:s3+s17], $0x80, s12, s17, $0xb8;
	[tilespmem:$0x1D400] =	vst v63  }
0xc3: {  	_ =	swait.ge [sflag:s2], $0x3400  }
0xc4: {  	[sflag:s2] =	ssyncset.done $0x0  }
0xc5: {  	s12 =	simm.s32 $0x478;
	[sflag:s2] =	ssyncadd.s32 $0xFFFFCC00  }
0xc6: {  	[tilespmem:s25], [sflag:$0x4] =	stream.indirect.gather [hbm4b:s3+s17], $0x80, s12, s17, $0xb8;
	[tilespmem:$0x1D400] =	vst v63  }
0xc7: {  	_ =	swait.ge [sflag:s4], $0x3400  }
0xc8: {  	[sflag:s4] =	ssyncset.done $0x0  }
0xc9: {  	s12 =	simm.s32 $0x4E0;
	[sflag:s4] =	ssyncadd.s32 $0xFFFFCC00  }
0xca: {  	[tilespmem:s28], [sflag:$0x5] =	stream.indirect.gather [hbm4b:s3+s17], $0x80, s12, s17, $0xb8;
	[tilespmem:$0x1D400] =	vst v63  }
0xcb: {  	_ =	swait.ge [sflag:s6], $0x3400  }
0xcc: {  	[sflag:s6] =	ssyncset.done $0x0  }
0xcd: {  	s12 =	simm.s32 $0x548;
	[sflag:s6] =	ssyncadd.s32 $0xFFFFCC00  }
0xce: {  	[tilespmem:s30], [sflag:$0x6] =	stream.indirect.gather [hbm4b:s3+s17], $0x80, s12, s17, $0xb8;
	[tilespmem:$0x1D400] =	vst v63  }
0xcf: {  	_ =	swait.ge [sflag:s7], $0x3400  }
0xd0: {  	[sflag:s7] =	ssyncset.done $0x0  }
0xd1: {  	s12 =	simm.s32 $0x5B0;
	[sflag:s7] =	ssyncadd.s32 $0xFFFFCC00  }
0xd2: {  	[tilespmem:s1], [sflag:$0x7] =	stream.indirect.gather [hbm4b:s3+s17], $0x80, s12, s17, $0xb8;
	[tilespmem:$0x1D400] =	vst v63  }
0xd3: {  	_ =	swait.ge [sflag:s8], $0x3400  }
0xd4: {  	[sflag:s8] =	ssyncset.done $0x0  }
0xd5: {  	s12 =	simm.s32 $0x618;
	[sflag:s8] =	ssyncadd.s32 $0xFFFFCC00  }
0xd6: {  	[tilespmem:s0], [sflag:$0x8] =	stream.indirect.gather [hbm4b:s3+s17], $0x80, s12, s17, $0xb8;
	[tilespmem:$0x1D400] =	vst v63  }
0xd7: {  	_ =	swait.ge [sflag:s31], $0x3400  }
0xd8: {  	s12 =	rddreg [dreg:$0x3];
	[sflag:s31] =	ssyncset.done $0x0  }
0xd9: {  	[sflag:s31] =	ssyncadd.s32 $0xFFFFCC00;
	s11 =	sadd.s32 $0x0, s12  }
0xda: {  	[hbm4b:s11+s20] =	stream.strided.scatter [tilespmem:s21], [sflag:$0x9], $0xD00, s22, s20, $0x38;
	[tilespmem:$0x1D400] =	vst v63  }
0xdb: {  	s21 =	sadd.s32 $0x10, s11  }
0xdc: {  	[hbm4b:s21+s20] =	stream.strided.scatter [tilespmem:s14], [sflag:$0x9], $0xD00, s22, s20, $0x38;
	[tilespmem:$0x1D400] =	vst v63  }
0xdd: {  	s14 =	sadd.s32 $0x20, s11;
	s21 =	simm.s32 $0x4E00  }
0xde: {  	[hbm4b:s14+s20] =	stream.strided.scatter [tilespmem:s21], [sflag:$0x9], $0xD00, s22, s20, $0x38;
	[tilespmem:$0x1D400] =	vst v63  }
0xdf: {  	s14 =	sadd.s32 $0x30, s11;
	s21 =	simm.s32 $0x5B00  }
0xe0: {  	[hbm4b:s14+s20] =	stream.strided.scatter [tilespmem:s21], [sflag:$0x9], $0xD00, s22, s20, $0x38;
	[tilespmem:$0x1D400] =	vst v63  }
0xe1: {  	_ =	swait.ge [sflag:s16], $0x3400  }
0xe2: {  	[sflag:s16] =	ssyncset.done $0x0  }
0xe3: {  	s21 =	sadd.s32 $0x40, s11;
	[sflag:s16] =	ssyncadd.s32 $0xFFFFCC00  }
0xe4: {  	[hbm4b:s21+s20] =	stream.strided.scatter [tilespmem:s19], [sflag:$0xA], $0xD00, s22, s20, $0x38;
	[tilespmem:$0x1D400] =	vst v63  }
0xe5: {  	s14 =	sadd.s32 $0x50, s11;
	s21 =	simm.s32 $0x7500  }
0xe6: {  	[hbm4b:s14+s20] =	stream.strided.scatter [tilespmem:s21], [sflag:$0xA], $0xD00, s22, s20, $0x38;
	[tilespmem:$0x1D400] =	vst v63  }
0xe7: {  	s14 =	sadd.s32 $0x60, s11;
	s21 =	simm.s32 $0x8200  }
0xe8: {  	[hbm4b:s14+s20] =	stream.strided.scatter [tilespmem:s21], [sflag:$0xA], $0xD00, s22, s20, $0x38;
	[tilespmem:$0x1D400] =	vst v63  }
0xe9: {  	s11 =	sadd.s32 $0x70, s11;
	s21 =	simm.s32 $0x8F00  }
0xea: {  	[hbm4b:s11+s20] =	stream.strided.scatter [tilespmem:s21], [sflag:$0xA], $0xD00, s22, s20, $0x38;
	[tilespmem:$0x1D400] =	vst v63  }
0xeb: {  	_ =	swait.ge [sflag:s9], $0x3400  }
0xec: {  	s12 =	rddreg [dreg:$0x9];
	[sflag:s9] =	ssyncset.done $0x0  }
0xed: {  	[sflag:s9] =	ssyncadd.s32 $0xFFFFCC00;
	s11 =	sadd.s32 $0x0, s12  }
0xee: {  	[hbm4b:s11+s20] =	stream.strided.scatter [tilespmem:s23], [sflag:$0xB], $0xD00, s22, s20, $0x38;
	[tilespmem:$0x1D400] =	vst v63  }
0xef: {  	s21 =	simm.s32 $0xA900;
	s14 =	sadd.s32 $0x10, s11  }
0xf0: {  	[hbm4b:s14+s20] =	stream.strided.scatter [tilespmem:s21], [sflag:$0xB], $0xD00, s22, s20, $0x38;
	[tilespmem:$0x1D400] =	vst v63  }
0xf1: {  	s14 =	sadd.s32 $0x20, s11;
	s21 =	simm.s32 $0xB600  }
0xf2: {  	[hbm4b:s14+s20] =	stream.strided.scatter [tilespmem:s21], [sflag:$0xB], $0xD00, s22, s20, $0x38;
	[tilespmem:$0x1D400] =	vst v63  }
0xf3: {  	s11 =	sadd.s32 $0x30, s11;
	s21 =	simm.s32 $0xC300  }
0xf4: {  	[hbm4b:s11+s20] =	stream.strided.scatter [tilespmem:s21], [sflag:$0xB], $0xD00, s22, s20, $0x38;
	[tilespmem:$0x1D400] =	vst v63  }
0xf5: {  	_ =	swait.ge [sflag:s5], $0x3400  }
0xf6: {  	s12 =	rddreg [dreg:$0x8];
	[sflag:s5] =	ssyncset.done $0x0  }
0xf7: {  	[sflag:s5] =	ssyncadd.s32 $0xFFFFCC00;
	s11 =	sadd.s32 $0x0, s12  }
0xf8: {  	[hbm4b:s11+s20] =	stream.strided.scatter [tilespmem:s25], [sflag:$0xC], $0xD00, s22, s20, $0x38;
	[tilespmem:$0x1D400] =	vst v63  }
0xf9: {  	s21 =	simm.s32 $0xDD00;
	s14 =	sadd.s32 $0x10, s11  }
0xfa: {  	[hbm4b:s14+s20] =	stream.strided.scatter [tilespmem:s21], [sflag:$0xC], $0xD00, s22, s20, $0x38;
	[tilespmem:$0x1D400] =	vst v63  }
0xfb: {  	s14 =	sadd.s32 $0x20, s11;
	s21 =	simm.s32 $0xEA00  }
0xfc: {  	[hbm4b:s14+s20] =	stream.strided.scatter [tilespmem:s21], [sflag:$0xC], $0xD00, s22, s20, $0x38;
	[tilespmem:$0x1D400] =	vst v63  }
0xfd: {  	s11 =	sadd.s32 $0x30, s11;
	s21 =	simm.s32 $0xF700  }
0xfe: {  	[hbm4b:s11+s20] =	stream.strided.scatter [tilespmem:s21], [sflag:$0xC], $0xD00, s22, s20, $0x38;
	[tilespmem:$0x1D400] =	vst v63  }
0xff: {  	_ =	swait.ge [sflag:s26], $0x3400  }
0x100: {  	s12 =	rddreg [dreg:$0x7];
	[sflag:s26] =	ssyncset.done $0x0  }
0x101: {  	[sflag:s26] =	ssyncadd.s32 $0xFFFFCC00;
	s11 =	sadd.s32 $0x0, s12  }
0x102: {  	[hbm4b:s11+s20] =	stream.strided.scatter [tilespmem:s28], [sflag:$0xD], $0xD00, s22, s20, $0x38;
	[tilespmem:$0x1D400] =	vst v63  }
0x103: {  	s21 =	simm.s32 $0x11100;
	s14 =	sadd.s32 $0x10, s11  }
0x104: {  	[hbm4b:s14+s20] =	stream.strided.scatter [tilespmem:s21], [sflag:$0xD], $0xD00, s22, s20, $0x38;
	[tilespmem:$0x1D400] =	vst v63  }
0x105: {  	s14 =	sadd.s32 $0x20, s11;
	s21 =	simm.s32 $0x11E00  }
0x106: {  	[hbm4b:s14+s20] =	stream.strided.scatter [tilespmem:s21], [sflag:$0xD], $0xD00, s22, s20, $0x38;
	[tilespmem:$0x1D400] =	vst v63  }
0x107: {  	s11 =	sadd.s32 $0x30, s11;
	s21 =	simm.s32 $0x12B00  }
0x108: {  	[hbm4b:s11+s20] =	stream.strided.scatter [tilespmem:s21], [sflag:$0xD], $0xD00, s22, s20, $0x38;
	[tilespmem:$0x1D400] =	vst v63  }
0x109: {  	_ =	swait.ge [sflag:s13], $0x3400  }
0x10a: {  	s12 =	rddreg [dreg:$0x6];
	[sflag:s13] =	ssyncset.done $0x0  }
0x10b: {  	[sflag:s13] =	ssyncadd.s32 $0xFFFFCC00;
	s11 =	sadd.s32 $0x0, s12  }
0x10c: {  	[hbm4b:s11+s20] =	stream.strided.scatter [tilespmem:s30], [sflag:$0xE], $0xD00, s22, s20, $0x38;
	[tilespmem:$0x1D400] =	vst v63  }
0x10d: {  	s21 =	simm.s32 $0x14500;
	s14 =	sadd.s32 $0x10, s11  }
0x10e: {  	[hbm4b:s14+s20] =	stream.strided.scatter [tilespmem:s21], [sflag:$0xE], $0xD00, s22, s20, $0x38;
	[tilespmem:$0x1D400] =	vst v63  }
0x10f: {  	s14 =	sadd.s32 $0x20, s11;
	s21 =	simm.s32 $0x15200  }
0x110: {  	[hbm4b:s14+s20] =	stream.strided.scatter [tilespmem:s21], [sflag:$0xE], $0xD00, s22, s20, $0x38;
	[tilespmem:$0x1D400] =	vst v63  }
0x111: {  	s11 =	sadd.s32 $0x30, s11;
	s21 =	simm.s32 $0x15F00  }
0x112: {  	[hbm4b:s11+s20] =	stream.strided.scatter [tilespmem:s21], [sflag:$0xE], $0xD00, s22, s20, $0x38;
	[tilespmem:$0x1D400] =	vst v63  }
0x113: {  	_ =	swait.ge [sflag:s10], $0x3400  }
0x114: {  	s12 =	rddreg [dreg:$0x5];
	[sflag:s10] =	ssyncset.done $0x0  }
0x115: {  	[sflag:s10] =	ssyncadd.s32 $0xFFFFCC00;
	s11 =	sadd.s32 $0x0, s12  }
0x116: {  	[hbm4b:s11+s20] =	stream.strided.scatter [tilespmem:s1], [sflag:$0xF], $0xD00, s22, s20, $0x38;
	[tilespmem:$0x1D400] =	vst v63  }
0x117: {  	s21 =	simm.s32 $0x17900;
	s14 =	sadd.s32 $0x10, s11  }
0x118: {  	[hbm4b:s14+s20] =	stream.strided.scatter [tilespmem:s21], [sflag:$0xF], $0xD00, s22, s20, $0x38;
	[tilespmem:$0x1D400] =	vst v63  }
0x119: {  	s14 =	sadd.s32 $0x20, s11;
	s21 =	simm.s32 $0x18600  }
0x11a: {  	[hbm4b:s14+s20] =	stream.strided.scatter [tilespmem:s21], [sflag:$0xF], $0xD00, s22, s20, $0x38;
	[tilespmem:$0x1D400] =	vst v63  }
0x11b: {  	s11 =	sadd.s32 $0x30, s11;
	s21 =	simm.s32 $0x19300  }
0x11c: {  	[hbm4b:s11+s20] =	stream.strided.scatter [tilespmem:s21], [sflag:$0xF], $0xD00, s22, s20, $0x38;
	[tilespmem:$0x1D400] =	vst v63  }
0x11d: {  	_ =	swait.ge [sflag:s15], $0x3400  }
0x11e: {  	s14 =	rddreg [dreg:$0x4];
	[sflag:s15] =	ssyncset.done $0x0  }
0x11f: {  	[sflag:s15] =	ssyncadd.s32 $0xFFFFCC00;
	s12 =	sadd.s32 $0x0, s14  }
0x120: {  	[hbm4b:s12+s20] =	stream.strided.scatter [tilespmem:s0], [sflag:$0x10], $0xD00, s22, s20, $0x38;
	[tilespmem:$0x1D400] =	vst v63  }
0x121: {  	s21 =	simm.s32 $0x1AD00;
	s11 =	sadd.s32 $0x10, s12  }
0x122: {  	[hbm4b:s11+s20] =	stream.strided.scatter [tilespmem:s21], [sflag:$0x10], $0xD00, s22, s20, $0x38;
	[tilespmem:$0x1D400] =	vst v63  }
0x123: {  	s14 =	sadd.s32 $0x20, s12;
	s21 =	simm.s32 $0x1BA00  }
0x124: {  	[hbm4b:s14+s20] =	stream.strided.scatter [tilespmem:s21], [sflag:$0x10], $0xD00, s22, s20, $0x38;
	[tilespmem:$0x1D400] =	vst v63  }
0x125: {  	s11 =	simm.s32 $0x3400;
	s14 =	sadd.s32 $0x30, s12;
	s12 =	simm.s32 $0x958  }
.LBB2_6:
0x126: {  	s21 =	simm.s32 $0x1C700  }
0x127: {  	[hbm4b:s14+s20] =	stream.strided.scatter [tilespmem:s21], [sflag:$0x10], $0xD00, s22, s20, $0x38;
	[tilespmem:$0x1D400] =	vst v63  }
0x128: {  	_ =	swait.ge [sflag:s18], $0x3400  }
0x129: {  	[sflag:s18] =	ssyncset.done $0x0  }
0x12a: {  	s21 =	simm.s32 $0x3400;
	[sflag:s18] =	ssyncadd.s32 $0xFFFFCC00;
	s18 =	sadd.s32 $0xFFFFFD28, s12  }
0x12b: {  	[tilespmem:s21], [sflag:$0x1] =	stream.indirect.gather [hbm4b:s3+s17], $0x80, s18, s17, $0xb8;
	[tilespmem:$0x1D400] =	vst v63  }
0x12c: {  	_ =	swait.ge [sflag:s24], $0x3400  }
0x12d: {  	[sflag:s24] =	ssyncset.done $0x0  }
0x12e: {  	[sflag:s24] =	ssyncadd.s32 $0xFFFFCC00;
	s24 =	sadd.s32 $0xFFFFFD90, s12  }
0x12f: {  	[tilespmem:s19], [sflag:$0x2] =	stream.indirect.gather [hbm4b:s3+s17], $0x80, s24, s17, $0xb8;
	[tilespmem:$0x1D400] =	vst v63  }
0x130: {  	_ =	swait.ge [sflag:s29], $0x3400  }
0x131: {  	[sflag:s29] =	ssyncset.done $0x0  }
0x132: {  	s24 =	sadd.s32 $0xFFFFFDF8, s12;
	[sflag:s29] =	ssyncadd.s32 $0xFFFFCC00  }
0x133: {  	[tilespmem:s23], [sflag:$0x3] =	stream.indirect.gather [hbm4b:s3+s17], $0x80, s24, s17, $0xb8;
	[tilespmem:$0x1D400] =	vst v63  }
0x134: {  	_ =	swait.ge [sflag:s2], $0x3400  }
0x135: {  	[sflag:s2] =	ssyncset.done $0x0  }
0x136: {  	[sflag:s2] =	ssyncadd.s32 $0xFFFFCC00;
	s2 =	sadd.s32 $0xFFFFFE60, s12  }
0x137: {  	[tilespmem:s25], [sflag:$0x4] =	stream.indirect.gather [hbm4b:s3+s17], $0x80, s2, s17, $0xb8;
	[tilespmem:$0x1D400] =	vst v63  }
0x138: {  	_ =	swait.ge [sflag:s4], $0x3400  }
0x139: {  	[sflag:s4] =	ssyncset.done $0x0  }
0x13a: {  	[sflag:s4] =	ssyncadd.s32 $0xFFFFCC00;
	s4 =	sadd.s32 $0xFFFFFEC8, s12  }
0x13b: {  	[tilespmem:s28], [sflag:$0x5] =	stream.indirect.gather [hbm4b:s3+s17], $0x80, s4, s17, $0xb8;
	[tilespmem:$0x1D400] =	vst v63  }
0x13c: {  	_ =	swait.ge [sflag:s6], $0x3400  }
0x13d: {  	[sflag:s6] =	ssyncset.done $0x0  }
0x13e: {  	[sflag:s6] =	ssyncadd.s32 $0xFFFFCC00;
	s6 =	sadd.s32 $0xFFFFFF30, s12  }
0x13f: {  	[tilespmem:s30], [sflag:$0x6] =	stream.indirect.gather [hbm4b:s3+s17], $0x80, s6, s17, $0xb8;
	[tilespmem:$0x1D400] =	vst v63  }
0x140: {  	_ =	swait.ge [sflag:s7], $0x3400  }
0x141: {  	[sflag:s7] =	ssyncset.done $0x0  }
0x142: {  	s19 =	sadd.s32 $0xFFFFFF98, s12;
	[sflag:s7] =	ssyncadd.s32 $0xFFFFCC00  }
0x143: {  	[tilespmem:s1], [sflag:$0x7] =	stream.indirect.gather [hbm4b:s3+s17], $0x80, s19, s17, $0xb8;
	[tilespmem:$0x1D400] =	vst v63  }
0x144: {  	_ =	swait.ge [sflag:s8], $0x3400  }
0x145: {  	[sflag:s8] =	ssyncset.done $0x0  }
0x146: {  	[sflag:s8] =	ssyncadd.s32 $0xFFFFCC00  }
0x147: {  	[tilespmem:s0], [sflag:$0x8] =	stream.indirect.gather [hbm4b:s3+s17], $0x80, s12, s17, $0xb8;
	[tilespmem:$0x1D400] =	vst v63  }
0x148: {  	_ =	swait.ge [sflag:s31], $0x3400  }
0x149: {  	s14 =	smov.u32 s11;
	s23 =	rddreg [dreg:$0x3];
	[sflag:s31] =	ssyncset.done $0x0  }
0x14a: {  	[sflag:s31] =	ssyncadd.s32 $0xFFFFCC00;
	s18 =	sadd.s32 s14, s23  }
0x14b: {  	[hbm4b:s18+s20] =	stream.strided.scatter [tilespmem:s21], [sflag:$0x9], $0xD00, s22, s20, $0x38;
	[tilespmem:$0x1D400] =	vst v63  }
0x14c: {  	s2 =	simm.s32 $0x4100;
	s24 =	sadd.s32 $0x10, s18  }
0x14d: {  	[hbm4b:s24+s20] =	stream.strided.scatter [tilespmem:s2], [sflag:$0x9], $0xD00, s22, s20, $0x38;
	[tilespmem:$0x1D400] =	vst v63  }
0x14e: {  	s29 =	simm.s32 $0x4E00;
	s4 =	sadd.s32 $0x20, s18  }
0x14f: {  	[hbm4b:s4+s20] =	stream.strided.scatter [tilespmem:s29], [sflag:$0x9], $0xD00, s22, s20, $0x38;
	[tilespmem:$0x1D400] =	vst v63  }
0x150: {  	s6 =	sadd.s32 $0x30, s18;
	s21 =	simm.s32 $0x5B00  }
0x151: {  	[hbm4b:s6+s20] =	stream.strided.scatter [tilespmem:s21], [sflag:$0x9], $0xD00, s22, s20, $0x38;
	[tilespmem:$0x1D400] =	vst v63  }
0x152: {  	_ =	swait.ge [sflag:s16], $0x3400  }
0x153: {  	[sflag:s16] =	ssyncset.done $0x0  }
0x154: {  	s23 =	simm.s32 $0x6800;
	s4 =	sadd.s32 $0x40, s18;
	[sflag:s16] =	ssyncadd.s32 $0xFFFFCC00  }
0x155: {  	[hbm4b:s4+s20] =	stream.strided.scatter [tilespmem:s23], [sflag:$0xA], $0xD00, s22, s20, $0x38;
	[tilespmem:$0x1D400] =	vst v63  }
0x156: {  	s6 =	sadd.s32 $0x50, s18;
	s21 =	simm.s32 $0x7500  }
0x157: {  	[hbm4b:s6+s20] =	stream.strided.scatter [tilespmem:s21], [sflag:$0xA], $0xD00, s22, s20, $0x38;
	[tilespmem:$0x1D400] =	vst v63  }
0x158: {  	s6 =	sadd.s32 $0x60, s18;
	s21 =	simm.s32 $0x8200  }
0x159: {  	[hbm4b:s6+s20] =	stream.strided.scatter [tilespmem:s21], [sflag:$0xA], $0xD00, s22, s20, $0x38;
	[tilespmem:$0x1D400] =	vst v63  }
0x15a: {  	s18 =	sadd.s32 $0x70, s18;
	s21 =	simm.s32 $0x8F00  }
0x15b: {  	[hbm4b:s18+s20] =	stream.strided.scatter [tilespmem:s21], [sflag:$0xA], $0xD00, s22, s20, $0x38;
	[tilespmem:$0x1D400] =	vst v63  }
0x15c: {  	_ =	swait.ge [sflag:s9], $0x3400  }
0x15d: {  	s19 =	rddreg [dreg:$0x9];
	[sflag:s9] =	ssyncset.done $0x0  }
0x15e: {  	s23 =	simm.s32 $0x9C00;
	[sflag:s9] =	ssyncadd.s32 $0xFFFFCC00;
	s18 =	sadd.s32 s14, s19  }
0x15f: {  	[hbm4b:s18+s20] =	stream.strided.scatter [tilespmem:s23], [sflag:$0xB], $0xD00, s22, s20, $0x38;
	[tilespmem:$0x1D400] =	vst v63  }
0x160: {  	s21 =	simm.s32 $0xA900;
	s19 =	sadd.s32 $0x10, s18  }
0x161: {  	[hbm4b:s19+s20] =	stream.strided.scatter [tilespmem:s21], [sflag:$0xB], $0xD00, s22, s20, $0x38;
	[tilespmem:$0x1D400] =	vst v63  }
0x162: {  	s19 =	sadd.s32 $0x20, s18;
	s21 =	simm.s32 $0xB600  }
0x163: {  	[hbm4b:s19+s20] =	stream.strided.scatter [tilespmem:s21], [sflag:$0xB], $0xD00, s22, s20, $0x38;
	[tilespmem:$0x1D400] =	vst v63  }
0x164: {  	s18 =	sadd.s32 $0x30, s18;
	s21 =	simm.s32 $0xC300  }
0x165: {  	[hbm4b:s18+s20] =	stream.strided.scatter [tilespmem:s21], [sflag:$0xB], $0xD00, s22, s20, $0x38;
	[tilespmem:$0x1D400] =	vst v63  }
0x166: {  	_ =	swait.ge [sflag:s5], $0x3400  }
0x167: {  	s19 =	rddreg [dreg:$0x8];
	[sflag:s5] =	ssyncset.done $0x0  }
0x168: {  	[sflag:s5] =	ssyncadd.s32 $0xFFFFCC00;
	s18 =	sadd.s32 s14, s19  }
0x169: {  	[hbm4b:s18+s20] =	stream.strided.scatter [tilespmem:s25], [sflag:$0xC], $0xD00, s22, s20, $0x38;
	[tilespmem:$0x1D400] =	vst v63  }
0x16a: {  	s21 =	simm.s32 $0xDD00;
	s19 =	sadd.s32 $0x10, s18  }
0x16b: {  	[hbm4b:s19+s20] =	stream.strided.scatter [tilespmem:s21], [sflag:$0xC], $0xD00, s22, s20, $0x38;
	[tilespmem:$0x1D400] =	vst v63  }
0x16c: {  	s19 =	sadd.s32 $0x20, s18;
	s21 =	simm.s32 $0xEA00  }
0x16d: {  	[hbm4b:s19+s20] =	stream.strided.scatter [tilespmem:s21], [sflag:$0xC], $0xD00, s22, s20, $0x38;
	[tilespmem:$0x1D400] =	vst v63  }
0x16e: {  	s18 =	sadd.s32 $0x30, s18;
	s21 =	simm.s32 $0xF700  }
0x16f: {  	[hbm4b:s18+s20] =	stream.strided.scatter [tilespmem:s21], [sflag:$0xC], $0xD00, s22, s20, $0x38;
	[tilespmem:$0x1D400] =	vst v63  }
0x170: {  	_ =	swait.ge [sflag:s26], $0x3400  }
0x171: {  	s19 =	rddreg [dreg:$0x7];
	[sflag:s26] =	ssyncset.done $0x0  }
0x172: {  	[sflag:s26] =	ssyncadd.s32 $0xFFFFCC00;
	s18 =	sadd.s32 s14, s19  }
0x173: {  	[hbm4b:s18+s20] =	stream.strided.scatter [tilespmem:s28], [sflag:$0xD], $0xD00, s22, s20, $0x38;
	[tilespmem:$0x1D400] =	vst v63  }
0x174: {  	s21 =	simm.s32 $0x11100;
	s19 =	sadd.s32 $0x10, s18  }
0x175: {  	[hbm4b:s19+s20] =	stream.strided.scatter [tilespmem:s21], [sflag:$0xD], $0xD00, s22, s20, $0x38;
	[tilespmem:$0x1D400] =	vst v63  }
0x176: {  	s19 =	sadd.s32 $0x20, s18;
	s21 =	simm.s32 $0x11E00  }
0x177: {  	[hbm4b:s19+s20] =	stream.strided.scatter [tilespmem:s21], [sflag:$0xD], $0xD00, s22, s20, $0x38;
	[tilespmem:$0x1D400] =	vst v63  }
0x178: {  	s18 =	sadd.s32 $0x30, s18;
	s21 =	simm.s32 $0x12B00  }
0x179: {  	[hbm4b:s18+s20] =	stream.strided.scatter [tilespmem:s21], [sflag:$0xD], $0xD00, s22, s20, $0x38;
	[tilespmem:$0x1D400] =	vst v63  }
0x17a: {  	_ =	swait.ge [sflag:s13], $0x3400  }
0x17b: {  	s19 =	rddreg [dreg:$0x6];
	[sflag:s13] =	ssyncset.done $0x0  }
0x17c: {  	[sflag:s13] =	ssyncadd.s32 $0xFFFFCC00;
	s18 =	sadd.s32 s14, s19  }
0x17d: {  	[hbm4b:s18+s20] =	stream.strided.scatter [tilespmem:s30], [sflag:$0xE], $0xD00, s22, s20, $0x38;
	[tilespmem:$0x1D400] =	vst v63  }
0x17e: {  	s21 =	simm.s32 $0x14500;
	s19 =	sadd.s32 $0x10, s18  }
0x17f: {  	[hbm4b:s19+s20] =	stream.strided.scatter [tilespmem:s21], [sflag:$0xE], $0xD00, s22, s20, $0x38;
	[tilespmem:$0x1D400] =	vst v63  }
0x180: {  	s19 =	sadd.s32 $0x20, s18;
	s21 =	simm.s32 $0x15200  }
0x181: {  	[hbm4b:s19+s20] =	stream.strided.scatter [tilespmem:s21], [sflag:$0xE], $0xD00, s22, s20, $0x38;
	[tilespmem:$0x1D400] =	vst v63  }
0x182: {  	s18 =	sadd.s32 $0x30, s18;
	s21 =	simm.s32 $0x15F00  }
0x183: {  	[hbm4b:s18+s20] =	stream.strided.scatter [tilespmem:s21], [sflag:$0xE], $0xD00, s22, s20, $0x38;
	[tilespmem:$0x1D400] =	vst v63  }
0x184: {  	_ =	swait.ge [sflag:s10], $0x3400  }
0x185: {  	s19 =	rddreg [dreg:$0x5];
	[sflag:s10] =	ssyncset.done $0x0  }
0x186: {  	[sflag:s10] =	ssyncadd.s32 $0xFFFFCC00;
	s18 =	sadd.s32 s14, s19  }
0x187: {  	[hbm4b:s18+s20] =	stream.strided.scatter [tilespmem:s1], [sflag:$0xF], $0xD00, s22, s20, $0x38;
	[tilespmem:$0x1D400] =	vst v63  }
0x188: {  	p0 =	sne.s32 s11, $0x2D800;
	s21 =	simm.s32 $0x17900;
	s19 =	sadd.s32 $0x10, s18  }
0x189: {  	[hbm4b:s19+s20] =	stream.strided.scatter [tilespmem:s21], [sflag:$0xF], $0xD00, s22, s20, $0x38;
	[tilespmem:$0x1D400] =	vst v63  }
0x18a: {  	s11 =	sadd.s32 $0x3400, s11;
	s19 =	sadd.s32 $0x20, s18;
	s21 =	simm.s32 $0x18600  }
0x18b: {  	[hbm4b:s19+s20] =	stream.strided.scatter [tilespmem:s21], [sflag:$0xF], $0xD00, s22, s20, $0x38;
	[tilespmem:$0x1D400] =	vst v63  }
0x18c: {  	s12 =	sadd.s32 $0x340, s12;
	s18 =	sadd.s32 $0x30, s18;
	s21 =	simm.s32 $0x19300  }
0x18d: {  	[hbm4b:s18+s20] =	stream.strided.scatter [tilespmem:s21], [sflag:$0xF], $0xD00, s22, s20, $0x38;
	[tilespmem:$0x1D400] =	vst v63  }
0x18e: {  	s24 =	simm.s32 $0xA;
	s2 =	simm.s32 $0xC;
	_ =	swait.ge [sflag:s15], $0x3400  }
0x18f: {  	s29 =	simm.s32 $0xB;
	s21 =	rddreg [dreg:$0x4];
	[sflag:s15] =	ssyncset.done $0x0  }
0x190: {  	s4 =	simm.s32 $0xD;
	[sflag:s15] =	ssyncadd.s32 $0xFFFFCC00;
	s14 =	sadd.s32 s14, s21  }
0x191: {  	[hbm4b:s14+s20] =	stream.strided.scatter [tilespmem:s0], [sflag:$0x10], $0xD00, s22, s20, $0x38;
	[tilespmem:$0x1D400] =	vst v63  }
.Ltmp2:
0x192: {  	s21 =	simm.s32 $0x1AD00;
	s18 =	sadd.s32 $0x10, s14;
	(pc) =	sbr.rel @p0 .LBB2_6-.Ltmp2, $4  }
0x193: {  	[hbm4b:s18+s20] =	stream.strided.scatter [tilespmem:s21], [sflag:$0x10], $0xD00, s22, s20, $0x38;
	[tilespmem:$0x1D400] =	vst v63  }
0x194: {  	s6 =	simm.s32 $0xE;
	s18 =	sadd.s32 $0x20, s14;
	s21 =	simm.s32 $0x1BA00  }
0x195: {  	[hbm4b:s18+s20] =	stream.strided.scatter [tilespmem:s21], [sflag:$0x10], $0xD00, s22, s20, $0x38;
	[tilespmem:$0x1D400] =	vst v63  }
0x196: {  	s19 =	simm.s32 $0x6800;
	s14 =	sadd.s32 $0x30, s14;
	s18 =	simm.s32 $0x9  }
0x197: {  	s5 =	simm.s32 $0x1C700  }
0x198: {  	[hbm4b:s14+s20] =	stream.strided.scatter [tilespmem:s5], [sflag:$0x10], $0xD00, s22, s20, $0x38;
	[tilespmem:$0x1D400] =	vst v63  }
0x199: {  	_ =	swait.ge [sflag:s18], $0x3400  }
0x19a: {  	[sflag:s18] =	ssyncset.done $0x0  }
0x19b: {  	[sflag:s18] =	ssyncadd.s32 $0xFFFFCC00  }
0x19c: {  	_ =	swait.ge [sflag:s24], $0x3400  }
0x19d: {  	[sflag:s24] =	ssyncset.done $0x0  }
0x19e: {  	[sflag:s24] =	ssyncadd.s32 $0xFFFFCC00  }
0x19f: {  	_ =	swait.ge [sflag:s29], $0x3400  }
0x1a0: {  	[sflag:s29] =	ssyncset.done $0x0  }
0x1a1: {  	[sflag:s29] =	ssyncadd.s32 $0xFFFFCC00  }
0x1a2: {  	_ =	swait.ge [sflag:s2], $0x3400  }
0x1a3: {  	[sflag:s2] =	ssyncset.done $0x0  }
0x1a4: {  	[sflag:s2] =	ssyncadd.s32 $0xFFFFCC00  }
0x1a5: {  	_ =	swait.ge [sflag:s4], $0x3400  }
0x1a6: {  	[sflag:s4] =	ssyncset.done $0x0  }
0x1a7: {  	[sflag:s4] =	ssyncadd.s32 $0xFFFFCC00  }
0x1a8: {  	_ =	swait.ge [sflag:s6], $0x3400  }
0x1a9: {  	[sflag:s6] =	ssyncset.done $0x0  }
0x1aa: {  	[sflag:s6] =	ssyncadd.s32 $0xFFFFCC00  }
0x1ab: {  	_ =	swait.ge [sflag:s7], $0x3400  }
0x1ac: {  	[sflag:s7] =	ssyncset.done $0x0  }
0x1ad: {  	[sflag:s7] =	ssyncadd.s32 $0xFFFFCC00  }
0x1ae: {  	_ =	swait.ge [sflag:s8], $0x3400  }
0x1af: {  	s9 =	rddreg [dreg:$0x16]  }
0x1b0: {  	s11 =	rddreg [dreg:$0x13];
	s9 =	sadd.s32 $0x1, s9  }
0x1b1: {  	p0 =	sne.s32 s9, s11  }
.Ltmp3:
0x1b2: {  	_ = 	snop;
	(pc) =	sbr.rel @p0 .LBB2_1-.Ltmp3, $4  }
0x1b3: {  	s0 =	simm.s32 $0x1A000;
	s1 =	simm.s32 $0x16C00;
	s30 =	simm.s32 $0x13800  }
0x1b4: {  	s28 =	simm.s32 $0x10400;
	s25 =	simm.s32 $0xD000;
	s26 =	simm.s32 $0xEA00  }
0x1b5: {  	s13 =	simm.s32 $0x11100;
	s10 =	simm.s32 $0x14500;
	[sflag:s8] =	ssyncset.done $0x0  }
0x1b6: {  	s15 =	simm.s32 $0x15200;
	s5 =	simm.s32 $0xC300;
	[sflag:s8] =	ssyncadd.s32 $0xFFFFCC00  }
0x1b7: {  	_ =	sfence.sel $0x180000  }
0x1b8: {  	[bflag:$0x0] =	sbarrier.arrive $0xFFFF  }
0x1b9: {  	_ =	strace $0x90000047  }
0x1ba: {  	s0 =	stileid.u32;
	[bflag:$0x2] =	sbarrier.arrive $0xFFFF  }
0x1bb: {  	p0 =	sne.s32 s0, $0x0;
	s0 =	rddreg [dreg:$0x2]  }
0x1bc: {  	s0 =	sadd.s32 @!p0 $0x100000, s0  }
0x1bd: {  	[sflag:s0] =	ssyncadd.tile.s32 @!p0 $0x1;
	_ =	shalt  }
.Lfunc_end2:
_tile_overlayer_lowered:
.L_overlay_start_2:
0x1be: {  	(tag) =	ssettag $0x2  }
0x1bf: {  	s0 =	rddreg [dreg:$0x0];
	s2 =	stileid.u32  }
0x1c0: {  	s1 =	rddreg [dreg:$0x1];
	p0 =	sne.s32 s2, $0x0  }
0x1c1: {  	s3 =	rddreg [dreg:$0x2];
	[bflag:$0x3] =	sbarrier.arrive $0xFFFF;
	s2 =	simm.s32 @!p0 $0x1C11  }
0x1c2: {  	[timem:s3], [sflag:s2] =	dma.local @!p0 [hbm:s0], s1  }
0x1c3: {  	s0 =	simm.s32 @!p0 $0x11  }
0x1c4: {  	_ =	swait.ge @!p0 [sflag:s0], s1  }
0x1c5: {  	s1 =	ssub.s32 @!p0 $0x0, s1;
	[sflag:s0] =	ssyncset.done @!p0 $0x0  }
0x1c6: {  	[sflag:s0] =	ssyncadd.s32 @!p0 s1  }
0x1c7: {  	[bflag:$0x3] =	sbarrier.arrive $0xFFFF  }
0x1c8: {  	_ =	shalt  }

</sc_bundles>
